<compile_context>
chip_gen: v7x
topology: tpu7x:2x2x1
jax: 0.10.2.dev20260603
libtpu: 0.0.44.dev20260713+nightly
codegen_flags: <defaults>
</compile_context>

<pallas_src>
import functools

import jax
import jax.numpy as jnp
from jax import lax
from jax.experimental import pallas as pl
from jax.experimental.pallas import tpu as pltpu
from jax.experimental.pallas import tpu_sc as plsc

L = 16
NC = 2
NS = 16
HALF = 128

_MESH = plsc.VectorSubcoreMesh(core_axis_name="c", subcore_axis_name="s")
_SC_PARAMS = pltpu.CompilerParams(needs_layout_passes=False)


def _sc_deg(col_flat, w_flat, npad):
    epad = col_flat.shape[0]
    ept = epad // (NC * NS)

    @functools.partial(
        pl.kernel,
        out_type=jax.ShapeDtypeStruct((NC * NS * npad,), jnp.float32),
        mesh=_MESH,
        compiler_params=_SC_PARAMS,
        scratch_types=[
            pltpu.VMEM((npad,), jnp.float32),
            pltpu.VMEM((ept,), jnp.int32),
            pltpu.VMEM((ept,), jnp.float32),
        ],
    )
    def deg_kernel(col_hbm, w_hbm, degp_hbm, deg_v, coli, wv):
        cid = lax.axis_index("c")
        sid = lax.axis_index("s")
        wid = cid * NS + sid
        zero = jnp.zeros((L,), jnp.float32)

        pltpu.sync_copy(col_hbm.at[pl.ds(wid * ept, ept)], coli)
        pltpu.sync_copy(w_hbm.at[pl.ds(wid * ept, ept)], wv)

        @pl.loop(0, npad // L)
        def _(g):
            deg_v[pl.ds(g * L, L)] = zero

        @pl.loop(0, ept // L)
        def _(g):
            sl = pl.ds(g * L, L)
            plsc.addupdate_scatter(deg_v, [coli[sl]], wv[sl])

        pltpu.sync_copy(deg_v, degp_hbm.at[pl.ds(wid * npad, npad)])

    return deg_kernel(col_flat, w_flat)


MCHUNK = 64
IBLK = 40


def _sc_msg(y_flat, row_flat, col3d, w_flat, npad):
    nchunks = col3d.shape[0]
    cpt = nchunks // NS
    nblk = cpt // IBLK
    eblk = IBLK * MCHUNK
    rpt = npad // NS

    @functools.partial(
        pl.kernel,
        out_type=jax.ShapeDtypeStruct((NC * npad, HALF), jnp.float32),
        mesh=_MESH,
        compiler_params=_SC_PARAMS,
        scratch_types=[
            pltpu.VMEM_SHARED((npad, HALF), jnp.float32),
            pltpu.VMEM((2, eblk), jnp.int32),
            pltpu.VMEM((2, IBLK, 1, MCHUNK), jnp.int32),
            pltpu.VMEM((2, eblk), jnp.float32),
            pltpu.VMEM((3, MCHUNK, HALF), jnp.float32),
            pltpu.SemaphoreType.DMA((3,)),
            pltpu.SemaphoreType.DMA((3,)),
        ],
    )
    def msg_kernel(y_hbm, row_hbm, col_hbm, w_hbm, out_hbm,
                   acc_sp, rowi, coli, wv, bufs, gsem, ssem):
        cid = lax.axis_index("c")
        sid = lax.axis_index("s")
        row0 = sid * rpt
        slab0 = cid * npad
        base = sid * cpt
        offv = jnp.full((L,), slab0, dtype=jnp.int32)

        def load_block(b):
            sb = lax.rem(b, 2)
            pltpu.sync_copy(row_hbm.at[pl.ds((base + b * IBLK) * MCHUNK, eblk)],
                            rowi.at[sb])
            pltpu.sync_copy(col_hbm.at[pl.ds(base + b * IBLK, IBLK)],
                            coli.at[sb])
            pltpu.sync_copy(w_hbm.at[pl.ds((base + b * IBLK) * MCHUNK, eblk)],
                            wv.at[sb])

            @pl.loop(0, eblk // L)
            def _(g):
                sl = pl.ds(g * L, L)
                rowi[sb, sl] = rowi[sb, sl] + offv

        pltpu.sync_copy(
            y_hbm.at[pl.ds(slab0 + row0, rpt)],
            acc_sp.at[pl.ds(row0, rpt)],
        )
        plsc.subcore_barrier()

        def start_gather(k, slot):
            sb = lax.rem(lax.div(k, IBLK), 2)
            o = lax.rem(k, IBLK) * MCHUNK
            pltpu.async_copy(
                y_hbm.at[rowi.at[sb, pl.ds(o, MCHUNK)]], bufs.at[slot],
                gsem.at[slot])

        def wait_gather(slot):
            pltpu.make_async_copy(
                y_hbm.at[rowi.at[0, pl.ds(0, MCHUNK)]], bufs.at[slot],
                gsem.at[slot]).wait()

        def start_scatter(k, slot):
            sb = lax.rem(lax.div(k, IBLK), 2)
            j = lax.rem(k, IBLK)
            pltpu.async_copy(
                bufs.at[slot], acc_sp.at[coli.at[sb, j, 0]], ssem.at[slot],
                add=True)

        def wait_scatter(slot):
            pltpu.make_async_copy(
                bufs.at[slot], acc_sp.at[coli.at[0, 0, 0]],
                ssem.at[slot]).wait()

        def scale(k, slot):
            sb = lax.rem(lax.div(k, IBLK), 2)
            o = lax.rem(k, IBLK) * MCHUNK
            sbv = jnp.full((L,), sb, dtype=jnp.int32)

            @pl.loop(0, MCHUNK, step=4)
            def _(e):
                for u in range(4):
                    idx = jnp.full((L,), o + e + u, dtype=jnp.int32)
                    wsp = plsc.load_gather(wv, [sbv, idx])
                    for f in range(HALF // L):
                        sl = pl.ds(f * L, L)
                        bufs[slot, e + u, sl] = bufs[slot, e + u, sl] * wsp

        load_block(0)
        start_gather(0, 0)
        start_gather(1, 1)

        @pl.loop(0, cpt)
        def _(k):
            @pl.when(jnp.logical_and(lax.rem(k, IBLK) == IBLK - 2,
                                     lax.div(k, IBLK) + 1 < nblk))
            def _():
                load_block(lax.div(k, IBLK) + 1)

            slot = lax.rem(k, 3)
            wait_gather(slot)
            scale(k, slot)
            start_scatter(k, slot)
            slot_r = lax.rem(k + 2, 3)

            @pl.when(k >= 1)
            def _():
                wait_scatter(slot_r)

            @pl.when(k + 2 < cpt)
            def _():
                start_gather(k + 2, slot_r)

        wait_scatter(lax.rem(cpt - 1, 3))

        plsc.subcore_barrier()
        pltpu.sync_copy(
            acc_sp.at[pl.ds(row0, rpt)],
            out_hbm.at[pl.ds(slab0 + row0, rpt)],
        )

    return msg_kernel(y_flat, row_flat, col3d, w_flat)


def _dis_from_degp(degp_blk):
    deg = jnp.sum(degp_blk, axis=0) + 1.0
    return jnp.where(deg > 0, lax.rsqrt(jnp.maximum(deg, 1e-12)), 0.0)


def _tc_y(x_pad, W, degp2):
    npad, d_in = x_pad.shape
    d_out = W.shape[0]
    br = npad // 8

    def body(x_ref, w_ref, degp_ref, y_ref):
        xl = lax.dot_general(
            x_ref[...], w_ref[...], (((1,), (1,)), ((), ())),
            preferred_element_type=jnp.float32,
        )
        y = xl * _dis_from_degp(degp_ref[...])[:, None]
        y_ref[...] = jnp.stack([y[:, :HALF], y[:, HALF:]], axis=0)

    return pl.pallas_call(
        body,
        grid=(npad // br,),
        in_specs=[
            pl.BlockSpec((br, d_in), lambda i: (i, 0)),
            pl.BlockSpec((d_out, d_in), lambda i: (0, 0)),
            pl.BlockSpec((NC * NS, br), lambda i: (0, i)),
        ],
        out_specs=pl.BlockSpec((NC, br, HALF), lambda i: (0, i, 0)),
        out_shape=jax.ShapeDtypeStruct((NC, npad, HALF), jnp.float32),
    )(x_pad, W, degp2)


def _tc_final(acc3, degp2, b2d):
    npad = acc3.shape[1]
    d_out = NC * HALF
    br = npad // 10

    def body(acc_ref, degp_ref, b_ref, o_ref):
        dis = _dis_from_degp(degp_ref[...])
        m = jnp.concatenate([acc_ref[0], acc_ref[1]], axis=1)
        o_ref[...] = m * dis[:, None] + b_ref[...]

    return pl.pallas_call(
        body,
        grid=(npad // br,),
        in_specs=[
            pl.BlockSpec((NC, br, HALF), lambda i: (0, i, 0)),
            pl.BlockSpec((NC * NS, br), lambda i: (0, i)),
            pl.BlockSpec((1, d_out), lambda i: (0, 0)),
        ],
        out_specs=pl.BlockSpec((br, d_out), lambda i: (i, 0)),
        out_shape=jax.ShapeDtypeStruct((npad, d_out), jnp.float32),
    )(acc3, degp2, b2d)


def kernel(x, edge_index, edge_weight, W, b):
    n = x.shape[0]
    e = edge_weight.shape[0]
    npad = -(-n // (NS * L)) * (NS * L)
    row = edge_index[0].astype(jnp.int32)
    col = edge_index[1].astype(jnp.int32)
    w = edge_weight.astype(jnp.float32)

    egrain = NS * MCHUNK * IBLK
    epad = -(-e // egrain) * egrain
    pad = epad - e
    pad_idx = (jnp.arange(pad, dtype=jnp.int32) * 37) % n
    row_flat = jnp.concatenate([row, pad_idx])
    col_flat = jnp.concatenate([col, pad_idx])
    col3d = col_flat.reshape(epad // MCHUNK, 1, MCHUNK)
    w_flat = jnp.concatenate([w, jnp.zeros((pad,), jnp.float32)])
    x_pad = jnp.concatenate(
        [x, jnp.zeros((npad - n, x.shape[1]), x.dtype)], axis=0)

    degp = _sc_deg(col_flat, w_flat, npad)
    degp2 = degp.reshape(NC * NS, npad)
    y = _tc_y(x_pad, W, degp2)
    acc = _sc_msg(y.reshape(NC * npad, HALF), row_flat, col3d, w_flat, npad)
    out = _tc_final(acc.reshape(NC, npad, HALF), degp2,
                    b.reshape(1, NC * HALF))
    return out[:n]

# --- scband reference (transcript-rebuilt; emitter-appended) ---
"""Pipeline reference for scband-gcn-10943576670533 (READ-ONLY COPY).

The authoritative reference and input builder live on the scoring server;
editing this copy changes nothing except your own understanding.
"""

import jax, jax.numpy as jnp
import numpy as np

N_NODES = 10000
N_EDGES = 160000
D_IN = 256
D_OUT = 256


def setup_inputs(seed: int = 0) -> dict:
    key = jax.random.key(seed)
    k1, k2, k3, k4, k5 = jax.random.split(key, 5)
    x = jax.random.normal(k1, (N_NODES, D_IN), dtype=jnp.float32)
    edge_index = jax.random.randint(k2, (2, N_EDGES), 0, N_NODES, dtype=jnp.int64)
    edge_weight = jax.random.uniform(k3, (N_EDGES,), dtype=jnp.float32)
    # GCNConv parameters: linear weight [out, in] (glorot) and bias [out] (zeros init, use small randn)
    W = jax.random.normal(k4, (D_OUT, D_IN), dtype=jnp.float32) * (1.0 / np.sqrt(D_IN))
    b = jax.random.normal(k5, (D_OUT,), dtype=jnp.float32) * 0.01
    return {"x": x, "edge_index": edge_index, "edge_weight": edge_weight, "W": W, "b": b}


def reference(x, edge_index, edge_weight, W, b):
    # Faithful GCNConv (PyG) with edge weights:
    #   1) add self-loops (weight 1.0)
    #   2) symmetric normalization norm = D^{-1/2}[row] * w * D^{-1/2}[col]
    #   3) linear transform x @ W.T
    #   4) scatter-add messages norm * x_lin[row] into col (target)
    #   5) add bias
    N = x.shape[0]
    row = edge_index[0]
    col = edge_index[1]
    loop = jnp.arange(N, dtype=edge_index.dtype)
    row = jnp.concatenate([row, loop])
    col = jnp.concatenate([col, loop])
    w = jnp.concatenate([edge_weight, jnp.ones((N,), dtype=edge_weight.dtype)])
    deg = jnp.zeros((N,), dtype=w.dtype).at[col].add(w)
    deg_inv_sqrt = jnp.where(deg > 0, jax.lax.rsqrt(jnp.maximum(deg, 1e-12)), 0.0)
    norm = deg_inv_sqrt[row] * w * deg_inv_sqrt[col]
    x_lin = x @ W.T
    msg = x_lin[row] * norm[:, None]
    out = jnp.zeros((N, W.shape[0]), dtype=x_lin.dtype).at[col].add(msg)
    return out + b

if __name__ == "__main__":
    import jax
    _d = setup_inputs()
    print(jax.jit(kernel)(*tuple(_d.values())))

</pallas_src>

<mosaic_0001>
#map = affine_map<(d0, d1) -> (0)>
module attributes {stable_mosaic.version = 14 : i64} {
  func.func @deg_kernel(%arg0: i32, %arg1: i32, %arg2: memref<163840xi32, #tpu.memory_space<hbm>>, %arg3: memref<163840xf32, #tpu.memory_space<hbm>>, %arg4: memref<327680xf32, #tpu.memory_space<hbm>>, %arg5: memref<10240xf32, #tpu.memory_space<vmem>>, %arg6: memref<5120xi32, #tpu.memory_space<vmem>>, %arg7: memref<5120xf32, #tpu.memory_space<vmem>>) attributes {dimension_semantics = [#tpu.dimension_semantics<core_parallel>, #tpu.dimension_semantics<subcore_parallel>], iteration_bounds = array<i64: 2, 16>, scalar_prefetch = 0 : i64, scratch_operands = 3 : i64, tpu.core_type = #tpu.core_type<sc_vector_subcore>, window_params = [{transform_indices = #map}, {transform_indices = #map}, {transform_indices = #map}]} {
    %mul3A = arith.constant 16 : i32
    %mul3A_0 = arith.muli %arg0, %mul3A : i32
    %add3A = arith.addi %mul3A_0, %arg1 : i32
    %broadcast_in_dim3A = arith.constant 0.000000e+00 : f32
    %broadcast_in_dim3A_1 = vector.broadcast %broadcast_in_dim3A : f32 to vector<16xf32>
    %mul3A_2 = arith.constant 5120 : i32
    %mul3A_3 = arith.muli %add3A, %mul3A_2 : i32
    "tpu.region"() ({
      %run_scoped3A = tpu.sem_alloc : memref<!tpu.dma_semaphore, #tpu.memory_space<semaphore_mem>>
      %dma_start3A = tpu.memref_slice %arg2[%mul3A_3] : memref<163840xi32, #tpu.memory_space<hbm>> -> memref<5120xi32, #tpu.memory_space<hbm>>
      %dma_start3A_17 = tpu.memref_slice %arg2[%mul3A_3] : memref<163840xi32, #tpu.memory_space<hbm>> -> memref<5120xi32, #tpu.memory_space<hbm>>
      tpu.enqueue_dma source(%dma_start3A_17 : memref<5120xi32, #tpu.memory_space<hbm>>) target(%arg6 : memref<5120xi32, #tpu.memory_space<vmem>>) target_semaphore(%run_scoped3A : memref<!tpu.dma_semaphore, #tpu.memory_space<semaphore_mem>>)
      %dma_wait3A = tpu.memref_slice %arg2[%mul3A_3] : memref<163840xi32, #tpu.memory_space<hbm>> -> memref<5120xi32, #tpu.memory_space<hbm>>
      %dma_wait3A_18 = tpu.memref_slice %arg2[%mul3A_3] : memref<163840xi32, #tpu.memory_space<hbm>> -> memref<5120xi32, #tpu.memory_space<hbm>>
      tpu.wait_dma2 semaphore(%run_scoped3A : memref<!tpu.dma_semaphore, #tpu.memory_space<semaphore_mem>>) src(%dma_wait3A_18 : memref<5120xi32, #tpu.memory_space<hbm>>) dst(%arg6 : memref<5120xi32, #tpu.memory_space<vmem>>)
      tpu.yield
    }) : () -> ()
    %mul3A_4 = arith.constant 5120 : i32
    %mul3A_5 = arith.muli %add3A, %mul3A_4 : i32
    "tpu.region"() ({
      %run_scoped3A = tpu.sem_alloc : memref<!tpu.dma_semaphore, #tpu.memory_space<semaphore_mem>>
      %dma_start3A = tpu.memref_slice %arg3[%mul3A_5] : memref<163840xf32, #tpu.memory_space<hbm>> -> memref<5120xf32, #tpu.memory_space<hbm>>
      %dma_start3A_17 = tpu.memref_slice %arg3[%mul3A_5] : memref<163840xf32, #tpu.memory_space<hbm>> -> memref<5120xf32, #tpu.memory_space<hbm>>
      tpu.enqueue_dma source(%dma_start3A_17 : memref<5120xf32, #tpu.memory_space<hbm>>) target(%arg7 : memref<5120xf32, #tpu.memory_space<vmem>>) target_semaphore(%run_scoped3A : memref<!tpu.dma_semaphore, #tpu.memory_space<semaphore_mem>>)
      %dma_wait3A = tpu.memref_slice %arg3[%mul3A_5] : memref<163840xf32, #tpu.memory_space<hbm>> -> memref<5120xf32, #tpu.memory_space<hbm>>
      %dma_wait3A_18 = tpu.memref_slice %arg3[%mul3A_5] : memref<163840xf32, #tpu.memory_space<hbm>> -> memref<5120xf32, #tpu.memory_space<hbm>>
      tpu.wait_dma2 semaphore(%run_scoped3A : memref<!tpu.dma_semaphore, #tpu.memory_space<semaphore_mem>>) src(%dma_wait3A_18 : memref<5120xf32, #tpu.memory_space<hbm>>) dst(%arg7 : memref<5120xf32, #tpu.memory_space<vmem>>)
      tpu.yield
    }) : () -> ()
    %scan3A = arith.constant 0 : i32
    %scan3A_6 = arith.constant 640 : i32
    %scan3A_7 = arith.addi %scan3A, %scan3A_6 : i32
    %scan3A_8 = arith.constant 1 : i32
    scf.for %scan3A_17 = %scan3A to %scan3A_7 step %scan3A_8  : i32 {
      %mul3A_18 = arith.constant 1 : i32
      %mul3A_19 = arith.muli %scan3A_17, %mul3A_18 : i32
      %add3A_20 = arith.constant 0 : i32
      %add3A_21 = arith.addi %add3A_20, %mul3A_19 : i32
      %mul3A_22 = arith.constant 16 : i32
      %mul3A_23 = arith.muli %add3A_21, %mul3A_22 : i32
      %swap3A = arith.index_cast %mul3A_23 : i32 to index
      %swap3A_24 = tpu.vector_load %arg5[%swap3A] {strides = array<i32>} : memref<10240xf32, #tpu.memory_space<vmem>>, vector<16xf32>,
      tpu.vector_store %arg5[%swap3A], %broadcast_in_dim3A_1 {strides = array<i32>} : memref<10240xf32, #tpu.memory_space<vmem>>, vector<16xf32>,
    }
    %scan3A_9 = arith.constant 640 : i32
    %scan3A_10 = arith.constant 0 : i32
    %scan3A_11 = arith.constant 320 : i32
    %scan3A_12 = arith.addi %scan3A_10, %scan3A_11 : i32
    %scan3A_13 = arith.constant 1 : i32
    scf.for %scan3A_17 = %scan3A_10 to %scan3A_12 step %scan3A_13  : i32 {
      %mul3A_18 = arith.constant 1 : i32
      %mul3A_19 = arith.muli %scan3A_17, %mul3A_18 : i32
      %add3A_20 = arith.constant 0 : i32
      %add3A_21 = arith.addi %add3A_20, %mul3A_19 : i32
      %mul3A_22 = arith.constant 16 : i32
      %mul3A_23 = arith.muli %add3A_21, %mul3A_22 : i32
      %get3A = arith.index_cast %mul3A_23 : i32 to index
      %get3A_24 = tpu.vector_load %arg6[%get3A] {strides = array<i32>} : memref<5120xi32, #tpu.memory_space<vmem>>, vector<16xi32>,
      %get3A_25 = arith.index_cast %mul3A_23 : i32 to index
      %get3A_26 = tpu.vector_load %arg7[%get3A_25] {strides = array<i32>} : memref<5120xf32, #tpu.memory_space<vmem>>, vector<16xf32>,
      tpu.vector_store_idx %arg5[%get3A_24], %get3A_26 {add = true} : memref<10240xf32, #tpu.memory_space<vmem>>[vector<16xi32>], vector<16xf32>,
    }
    %scan3A_14 = arith.constant 320 : i32
    %mul3A_15 = arith.constant 10240 : i32
    %mul3A_16 = arith.muli %add3A, %mul3A_15 : i32
    "tpu.region"() ({
      %run_scoped3A = tpu.sem_alloc : memref<!tpu.dma_semaphore, #tpu.memory_space<semaphore_mem>>
      %dma_start3A = tpu.memref_slice %arg4[%mul3A_16] : memref<327680xf32, #tpu.memory_space<hbm>> -> memref<10240xf32, #tpu.memory_space<hbm>>
      %dma_start3A_17 = tpu.memref_slice %arg4[%mul3A_16] : memref<327680xf32, #tpu.memory_space<hbm>> -> memref<10240xf32, #tpu.memory_space<hbm>>
      tpu.enqueue_dma source(%arg5 : memref<10240xf32, #tpu.memory_space<vmem>>) target(%dma_start3A_17 : memref<10240xf32, #tpu.memory_space<hbm>>) target_semaphore(%run_scoped3A : memref<!tpu.dma_semaphore, #tpu.memory_space<semaphore_mem>>)
      %dma_wait3A = tpu.memref_slice %arg4[%mul3A_16] : memref<327680xf32, #tpu.memory_space<hbm>> -> memref<10240xf32, #tpu.memory_space<hbm>>
      %dma_wait3A_18 = tpu.memref_slice %arg4[%mul3A_16] : memref<327680xf32, #tpu.memory_space<hbm>> -> memref<10240xf32, #tpu.memory_space<hbm>>
      tpu.wait_dma2 semaphore(%run_scoped3A : memref<!tpu.dma_semaphore, #tpu.memory_space<semaphore_mem>>) src(%arg5 : memref<10240xf32, #tpu.memory_space<vmem>>) dst(%dma_wait3A_18 : memref<10240xf32, #tpu.memory_space<hbm>>)
      tpu.yield
    }) : () -> ()
    return
  }
}

#map = affine_map<(d0, d1) -> (0, 0)>
#map1 = affine_map<(d0, d1) -> (0)>
#map2 = affine_map<(d0, d1) -> (0, 0, 0)>
module attributes {stable_mosaic.version = 14 : i64} {
  func.func @msg_kernel(%arg0: i32, %arg1: i32, %arg2: memref<20480x128xf32, #tpu.memory_space<hbm>>, %arg3: memref<163840xi32, #tpu.memory_space<hbm>>, %arg4: memref<2560x1x64xi32, #tpu.memory_space<hbm>>, %arg5: memref<163840xf32, #tpu.memory_space<hbm>>, %arg6: memref<20480x128xf32, #tpu.memory_space<hbm>>, %arg7: memref<10240x128xf32, #tpu.memory_space<vmem_shared>>, %arg8: memref<2x2560xi32, #tpu.memory_space<vmem>>, %arg9: memref<2x40x1x64xi32, #tpu.memory_space<vmem>>, %arg10: memref<2x2560xf32, #tpu.memory_space<vmem>>, %arg11: memref<3x64x128xf32, #tpu.memory_space<vmem>>, %arg12: memref<3x!tpu.dma_semaphore, #tpu.memory_space<semaphore_mem>>, %arg13: memref<3x!tpu.dma_semaphore, #tpu.memory_space<semaphore_mem>>) attributes {dimension_semantics = [#tpu.dimension_semantics<core_parallel>, #tpu.dimension_semantics<subcore_parallel>], iteration_bounds = array<i64: 2, 16>, scalar_prefetch = 0 : i64, scratch_operands = 7 : i64, tpu.core_type = #tpu.core_type<sc_vector_subcore>, window_params = [{transform_indices = #map}, {transform_indices = #map1}, {transform_indices = #map2}, {transform_indices = #map1}, {transform_indices = #map}]} {
    %mul3A = arith.constant 640 : i32
    %mul3A_0 = arith.muli %arg1, %mul3A : i32
    %mul3A_1 = arith.constant 10240 : i32
    %mul3A_2 = arith.muli %arg0, %mul3A_1 : i32
    %mul3A_3 = arith.constant 160 : i32
    %mul3A_4 = arith.muli %arg1, %mul3A_3 : i32
    %broadcast_in_dim3A = vector.broadcast %mul3A_2 : i32 to vector<16xi32>
    %add3A = arith.addi %mul3A_2, %mul3A_0 : i32
    "tpu.region"() ({
      %run_scoped3A = tpu.sem_alloc : memref<!tpu.dma_semaphore, #tpu.memory_space<semaphore_mem>>
      %dma_start3A_89 = arith.constant 0 : i32
      %dma_start3A_90 = tpu.memref_slice %arg7[%mul3A_0, %dma_start3A_89] : memref<10240x128xf32, #tpu.memory_space<vmem_shared>> -> memref<640x128xf32, #tpu.memory_space<vmem_shared>>
      %dma_start3A_91 = arith.constant 0 : i32
      %dma_start3A_92 = tpu.memref_slice %arg2[%add3A, %dma_start3A_91] : memref<20480x128xf32, #tpu.memory_space<hbm>> -> memref<640x128xf32, #tpu.memory_space<hbm>>
      tpu.enqueue_dma source(%dma_start3A_92 : memref<640x128xf32, #tpu.memory_space<hbm>>) target(%dma_start3A_90 : memref<640x128xf32, #tpu.memory_space<vmem_shared>>) target_semaphore(%run_scoped3A : memref<!tpu.dma_semaphore, #tpu.memory_space<semaphore_mem>>)
      %dma_wait3A_93 = arith.constant 0 : i32
      %dma_wait3A_94 = tpu.memref_slice %arg7[%mul3A_0, %dma_wait3A_93] : memref<10240x128xf32, #tpu.memory_space<vmem_shared>> -> memref<640x128xf32, #tpu.memory_space<vmem_shared>>
      %dma_wait3A_95 = arith.constant 0 : i32
      %dma_wait3A_96 = tpu.memref_slice %arg2[%add3A, %dma_wait3A_95] : memref<20480x128xf32, #tpu.memory_space<hbm>> -> memref<640x128xf32, #tpu.memory_space<hbm>>
      tpu.wait_dma2 semaphore(%run_scoped3A : memref<!tpu.dma_semaphore, #tpu.memory_space<semaphore_mem>>) src(%dma_wait3A_96 : memref<640x128xf32, #tpu.memory_space<hbm>>) dst(%dma_wait3A_94 : memref<640x128xf32, #tpu.memory_space<vmem_shared>>)
      tpu.yield
    }) : () -> ()
    %barrier3A = arith.constant 0 : index
    tpu.barrier barrier_id(%barrier3A)
    %rem3A = arith.constant 0 : i32
    %rem3A_5 = arith.constant 2 : i32
    %rem3A_6 = arith.remsi %rem3A, %rem3A_5 : i32
    %add3A_7 = arith.constant 0 : i32
    %add3A_8 = arith.addi %mul3A_4, %add3A_7 : i32
    %mul3A_9 = arith.constant 64 : i32
    %mul3A_10 = arith.muli %add3A_8, %mul3A_9 : i32
    "tpu.region"() ({
      %run_scoped3A = tpu.sem_alloc : memref<!tpu.dma_semaphore, #tpu.memory_space<semaphore_mem>>
      %dma_start3A_89 = arith.constant 0 : i32
      %dma_start3A_90 = tpu.memref_slice %arg8[%rem3A_6, %dma_start3A_89] : memref<2x2560xi32, #tpu.memory_space<vmem>> -> memref<1x2560xi32, #tpu.memory_space<vmem>>
      %dma_start3A_91 = tpu.memref_squeeze %dma_start3A_90 : memref<1x2560xi32, #tpu.memory_space<vmem>> -> memref<2560xi32, #tpu.memory_space<vmem>>
      %dma_start3A_92 = tpu.memref_slice %arg3[%mul3A_10] : memref<163840xi32, #tpu.memory_space<hbm>> -> memref<2560xi32, #tpu.memory_space<hbm>>
      %dma_start3A_93 = arith.constant 0 : i32
      %dma_start3A_94 = tpu.memref_slice %arg8[%rem3A_6, %dma_start3A_93] : memref<2x2560xi32, #tpu.memory_space<vmem>> -> memref<1x2560xi32, #tpu.memory_space<vmem>>
      %dma_start3A_95 = tpu.memref_squeeze %dma_start3A_94 : memref<1x2560xi32, #tpu.memory_space<vmem>> -> memref<2560xi32, #tpu.memory_space<vmem>>
      %dma_start3A_96 = tpu.memref_slice %arg3[%mul3A_10] : memref<163840xi32, #tpu.memory_space<hbm>> -> memref<2560xi32, #tpu.memory_space<hbm>>
      tpu.enqueue_dma source(%dma_start3A_96 : memref<2560xi32, #tpu.memory_space<hbm>>) target(%dma_start3A_95 : memref<2560xi32, #tpu.memory_space<vmem>>) target_semaphore(%run_scoped3A : memref<!tpu.dma_semaphore, #tpu.memory_space<semaphore_mem>>)
      %dma_wait3A_97 = arith.constant 0 : i32
      %dma_wait3A_98 = tpu.memref_slice %arg8[%rem3A_6, %dma_wait3A_97] : memref<2x2560xi32, #tpu.memory_space<vmem>> -> memref<1x2560xi32, #tpu.memory_space<vmem>>
      %dma_wait3A_99 = tpu.memref_squeeze %dma_wait3A_98 : memref<1x2560xi32, #tpu.memory_space<vmem>> -> memref<2560xi32, #tpu.memory_space<vmem>>
      %dma_wait3A_100 = tpu.memref_slice %arg3[%mul3A_10] : memref<163840xi32, #tpu.memory_space<hbm>> -> memref<2560xi32, #tpu.memory_space<hbm>>
      %dma_wait3A_101 = arith.constant 0 : i32
      %dma_wait3A_102 = tpu.memref_slice %arg8[%rem3A_6, %dma_wait3A_101] : memref<2x2560xi32, #tpu.memory_space<vmem>> -> memref<1x2560xi32, #tpu.memory_space<vmem>>
      %dma_wait3A_103 = tpu.memref_squeeze %dma_wait3A_102 : memref<1x2560xi32, #tpu.memory_space<vmem>> -> memref<2560xi32, #tpu.memory_space<vmem>>
      %dma_wait3A_104 = tpu.memref_slice %arg3[%mul3A_10] : memref<163840xi32, #tpu.memory_space<hbm>> -> memref<2560xi32, #tpu.memory_space<hbm>>
      tpu.wait_dma2 semaphore(%run_scoped3A : memref<!tpu.dma_semaphore, #tpu.memory_space<semaphore_mem>>) src(%dma_wait3A_104 : memref<2560xi32, #tpu.memory_space<hbm>>) dst(%dma_wait3A_103 : memref<2560xi32, #tpu.memory_space<vmem>>)
      tpu.yield
    }) : () -> ()
    %add3A_11 = arith.constant 0 : i32
    %add3A_12 = arith.addi %mul3A_4, %add3A_11 : i32
    "tpu.region"() ({
      %run_scoped3A = tpu.sem_alloc : memref<!tpu.dma_semaphore, #tpu.memory_space<semaphore_mem>>
      %dma_start3A_89 = arith.constant 0 : i32
      %dma_start3A_90 = arith.constant 0 : i32
      %dma_start3A_91 = arith.constant 0 : i32
      %dma_start3A_92 = tpu.memref_slice %arg9[%rem3A_6, %dma_start3A_89, %dma_start3A_90, %dma_start3A_91] : memref<2x40x1x64xi32, #tpu.memory_space<vmem>> -> memref<1x40x1x64xi32, #tpu.memory_space<vmem>>
      %dma_start3A_93 = tpu.memref_squeeze %dma_start3A_92 : memref<1x40x1x64xi32, #tpu.memory_space<vmem>> -> memref<40x1x64xi32, #tpu.memory_space<vmem>>
      %dma_start3A_94 = arith.constant 0 : i32
      %dma_start3A_95 = arith.constant 0 : i32
      %dma_start3A_96 = tpu.memref_slice %arg4[%add3A_12, %dma_start3A_94, %dma_start3A_95] : memref<2560x1x64xi32, #tpu.memory_space<hbm>> -> memref<40x1x64xi32, #tpu.memory_space<hbm>>
      %dma_start3A_97 = arith.constant 0 : i32
      %dma_start3A_98 = arith.constant 0 : i32
      %dma_start3A_99 = arith.constant 0 : i32
      %dma_start3A_100 = tpu.memref_slice %arg9[%rem3A_6, %dma_start3A_97, %dma_start3A_98, %dma_start3A_99] : memref<2x40x1x64xi32, #tpu.memory_space<vmem>> -> memref<1x40x1x64xi32, #tpu.memory_space<vmem>>
      %dma_start3A_101 = tpu.memref_squeeze %dma_start3A_100 : memref<1x40x1x64xi32, #tpu.memory_space<vmem>> -> memref<40x1x64xi32, #tpu.memory_space<vmem>>
      %dma_start3A_102 = arith.constant 0 : i32
      %dma_start3A_103 = arith.constant 0 : i32
      %dma_start3A_104 = tpu.memref_slice %arg4[%add3A_12, %dma_start3A_102, %dma_start3A_103] : memref<2560x1x64xi32, #tpu.memory_space<hbm>> -> memref<40x1x64xi32, #tpu.memory_space<hbm>>
      tpu.enqueue_dma source(%dma_start3A_104 : memref<40x1x64xi32, #tpu.memory_space<hbm>>) target(%dma_start3A_101 : memref<40x1x64xi32, #tpu.memory_space<vmem>>) target_semaphore(%run_scoped3A : memref<!tpu.dma_semaphore, #tpu.memory_space<semaphore_mem>>)
      %dma_wait3A_105 = arith.constant 0 : i32
      %dma_wait3A_106 = arith.constant 0 : i32
      %dma_wait3A_107 = arith.constant 0 : i32
      %dma_wait3A_108 = tpu.memref_slice %arg9[%rem3A_6, %dma_wait3A_105, %dma_wait3A_106, %dma_wait3A_107] : memref<2x40x1x64xi32, #tpu.memory_space<vmem>> -> memref<1x40x1x64xi32, #tpu.memory_space<vmem>>
      %dma_wait3A_109 = tpu.memref_squeeze %dma_wait3A_108 : memref<1x40x1x64xi32, #tpu.memory_space<vmem>> -> memref<40x1x64xi32, #tpu.memory_space<vmem>>
      %dma_wait3A_110 = arith.constant 0 : i32
      %dma_wait3A_111 = arith.constant 0 : i32
      %dma_wait3A_112 = tpu.memref_slice %arg4[%add3A_12, %dma_wait3A_110, %dma_wait3A_111] : memref<2560x1x64xi32, #tpu.memory_space<hbm>> -> memref<40x1x64xi32, #tpu.memory_space<hbm>>
      %dma_wait3A_113 = arith.constant 0 : i32
      %dma_wait3A_114 = arith.constant 0 : i32
      %dma_wait3A_115 = arith.constant 0 : i32
      %dma_wait3A_116 = tpu.memref_slice %arg9[%rem3A_6, %dma_wait3A_113, %dma_wait3A_114, %dma_wait3A_115] : memref<2x40x1x64xi32, #tpu.memory_space<vmem>> -> memref<1x40x1x64xi32, #tpu.memory_space<vmem>>
      %dma_wait3A_117 = tpu.memref_squeeze %dma_wait3A_116 : memref<1x40x1x64xi32, #tpu.memory_space<vmem>> -> memref<40x1x64xi32, #tpu.memory_space<vmem>>
      %dma_wait3A_118 = arith.constant 0 : i32
      %dma_wait3A_119 = arith.constant 0 : i32
      %dma_wait3A_120 = tpu.memref_slice %arg4[%add3A_12, %dma_wait3A_118, %dma_wait3A_119] : memref<2560x1x64xi32, #tpu.memory_space<hbm>> -> memref<40x1x64xi32, #tpu.memory_space<hbm>>
      tpu.wait_dma2 semaphore(%run_scoped3A : memref<!tpu.dma_semaphore, #tpu.memory_space<semaphore_mem>>) src(%dma_wait3A_120 : memref<40x1x64xi32, #tpu.memory_space<hbm>>) dst(%dma_wait3A_117 : memref<40x1x64xi32, #tpu.memory_space<vmem>>)
      tpu.yield
    }) : () -> ()
    %add3A_13 = arith.constant 0 : i32
    %add3A_14 = arith.addi %mul3A_4, %add3A_13 : i32
    %mul3A_15 = arith.constant 64 : i32
    %mul3A_16 = arith.muli %add3A_14, %mul3A_15 : i32
    "tpu.region"() ({
      %run_scoped3A = tpu.sem_alloc : memref<!tpu.dma_semaphore, #tpu.memory_space<semaphore_mem>>
      %dma_start3A_89 = arith.constant 0 : i32
      %dma_start3A_90 = tpu.memref_slice %arg10[%rem3A_6, %dma_start3A_89] : memref<2x2560xf32, #tpu.memory_space<vmem>> -> memref<1x2560xf32, #tpu.memory_space<vmem>>
      %dma_start3A_91 = tpu.memref_squeeze %dma_start3A_90 : memref<1x2560xf32, #tpu.memory_space<vmem>> -> memref<2560xf32, #tpu.memory_space<vmem>>
      %dma_start3A_92 = tpu.memref_slice %arg5[%mul3A_16] : memref<163840xf32, #tpu.memory_space<hbm>> -> memref<2560xf32, #tpu.memory_space<hbm>>
      %dma_start3A_93 = arith.constant 0 : i32
      %dma_start3A_94 = tpu.memref_slice %arg10[%rem3A_6, %dma_start3A_93] : memref<2x2560xf32, #tpu.memory_space<vmem>> -> memref<1x2560xf32, #tpu.memory_space<vmem>>
      %dma_start3A_95 = tpu.memref_squeeze %dma_start3A_94 : memref<1x2560xf32, #tpu.memory_space<vmem>> -> memref<2560xf32, #tpu.memory_space<vmem>>
      %dma_start3A_96 = tpu.memref_slice %arg5[%mul3A_16] : memref<163840xf32, #tpu.memory_space<hbm>> -> memref<2560xf32, #tpu.memory_space<hbm>>
      tpu.enqueue_dma source(%dma_start3A_96 : memref<2560xf32, #tpu.memory_space<hbm>>) target(%dma_start3A_95 : memref<2560xf32, #tpu.memory_space<vmem>>) target_semaphore(%run_scoped3A : memref<!tpu.dma_semaphore, #tpu.memory_space<semaphore_mem>>)
      %dma_wait3A_97 = arith.constant 0 : i32
      %dma_wait3A_98 = tpu.memref_slice %arg10[%rem3A_6, %dma_wait3A_97] : memref<2x2560xf32, #tpu.memory_space<vmem>> -> memref<1x2560xf32, #tpu.memory_space<vmem>>
      %dma_wait3A_99 = tpu.memref_squeeze %dma_wait3A_98 : memref<1x2560xf32, #tpu.memory_space<vmem>> -> memref<2560xf32, #tpu.memory_space<vmem>>
      %dma_wait3A_100 = tpu.memref_slice %arg5[%mul3A_16] : memref<163840xf32, #tpu.memory_space<hbm>> -> memref<2560xf32, #tpu.memory_space<hbm>>
      %dma_wait3A_101 = arith.constant 0 : i32
      %dma_wait3A_102 = tpu.memref_slice %arg10[%rem3A_6, %dma_wait3A_101] : memref<2x2560xf32, #tpu.memory_space<vmem>> -> memref<1x2560xf32, #tpu.memory_space<vmem>>
      %dma_wait3A_103 = tpu.memref_squeeze %dma_wait3A_102 : memref<1x2560xf32, #tpu.memory_space<vmem>> -> memref<2560xf32, #tpu.memory_space<vmem>>
      %dma_wait3A_104 = tpu.memref_slice %arg5[%mul3A_16] : memref<163840xf32, #tpu.memory_space<hbm>> -> memref<2560xf32, #tpu.memory_space<hbm>>
      tpu.wait_dma2 semaphore(%run_scoped3A : memref<!tpu.dma_semaphore, #tpu.memory_space<semaphore_mem>>) src(%dma_wait3A_104 : memref<2560xf32, #tpu.memory_space<hbm>>) dst(%dma_wait3A_103 : memref<2560xf32, #tpu.memory_space<vmem>>)
      tpu.yield
    }) : () -> ()
    %scan3A = arith.constant 0 : i32
    %scan3A_17 = arith.constant 160 : i32
    %scan3A_18 = arith.addi %scan3A, %scan3A_17 : i32
    %scan3A_19 = arith.constant 1 : i32
    scf.for %scan3A_89 = %scan3A to %scan3A_18 step %scan3A_19  : i32 {
      %mul3A_90 = arith.constant 1 : i32
      %mul3A_91 = arith.muli %scan3A_89, %mul3A_90 : i32
      %add3A_92 = arith.constant 0 : i32
      %add3A_93 = arith.addi %add3A_92, %mul3A_91 : i32
      %mul3A_94 = arith.constant 16 : i32
      %mul3A_95 = arith.muli %add3A_93, %mul3A_94 : i32
      %get3A = arith.index_cast %rem3A_6 : i32 to index
      %get3A_96 = arith.index_cast %mul3A_95 : i32 to index
      %get3A_97 = tpu.vector_load %arg8[%get3A, %get3A_96] {strides = array<i32>} : memref<2x2560xi32, #tpu.memory_space<vmem>>, vector<16xi32>,
      %add3A_98 = arith.addi %get3A_97, %broadcast_in_dim3A : vector<16xi32>
      %swap3A = arith.index_cast %rem3A_6 : i32 to index
      %swap3A_99 = arith.index_cast %mul3A_95 : i32 to index
      %swap3A_100 = tpu.vector_load %arg8[%swap3A, %swap3A_99] {strides = array<i32>} : memref<2x2560xi32, #tpu.memory_space<vmem>>, vector<16xi32>,
      tpu.vector_store %arg8[%swap3A, %swap3A_99], %add3A_98 {strides = array<i32>} : memref<2x2560xi32, #tpu.memory_space<vmem>>, vector<16xi32>,
    }
    %scan3A_20 = arith.constant 160 : i32
    %div3A = arith.constant 0 : i32
    %div3A_21 = arith.constant 40 : i32
    %div3A_22 = arith.divsi %div3A, %div3A_21 : i32
    %rem3A_23 = arith.constant 2 : i32
    %rem3A_24 = arith.remsi %div3A_22, %rem3A_23 : i32
    %rem3A_25 = arith.constant 0 : i32
    %rem3A_26 = arith.constant 40 : i32
    %rem3A_27 = arith.remsi %rem3A_25, %rem3A_26 : i32
    %mul3A_28 = arith.constant 64 : i32
    %mul3A_29 = arith.muli %rem3A_27, %mul3A_28 : i32
    %dma_start3A = arith.constant 0 : i32
    %dma_start3A_30 = arith.constant 0 : i32
    %dma_start3A_31 = arith.constant 0 : i32
    %dma_start3A_32 = arith.constant 0 : i32
    %dma_start3A_33 = tpu.memref_slice %arg11[%dma_start3A, %dma_start3A_31, %dma_start3A_32] : memref<3x64x128xf32, #tpu.memory_space<vmem>> -> memref<1x64x128xf32, #tpu.memory_space<vmem>>
    %dma_start3A_34 = tpu.memref_squeeze %dma_start3A_33 : memref<1x64x128xf32, #tpu.memory_space<vmem>> -> memref<64x128xf32, #tpu.memory_space<vmem>>
    %dma_start3A_35 = tpu.memref_slice %arg8[%rem3A_24, %mul3A_29] : memref<2x2560xi32, #tpu.memory_space<vmem>> -> memref<1x64xi32, #tpu.memory_space<vmem>>
    %dma_start3A_36 = tpu.memref_squeeze %dma_start3A_35 : memref<1x64xi32, #tpu.memory_space<vmem>> -> memref<64xi32, #tpu.memory_space<vmem>>
    %dma_start3A_37 = arith.constant 0 : i32
    %dma_start3A_38 = arith.constant 0 : i32
    %dma_start3A_39 = tpu.memref_slice %arg2[%dma_start3A_37, %dma_start3A_38] : memref<20480x128xf32, #tpu.memory_space<hbm>> -> memref<20480x128xf32, #tpu.memory_space<hbm>>
    %dma_start3A_40 = tpu.memref_slice %arg12[%dma_start3A_30] : memref<3x!tpu.dma_semaphore, #tpu.memory_space<semaphore_mem>> -> memref<1x!tpu.dma_semaphore, #tpu.memory_space<semaphore_mem>>
    %dma_start3A_41 = tpu.memref_squeeze %dma_start3A_40 : memref<1x!tpu.dma_semaphore, #tpu.memory_space<semaphore_mem>> -> memref<!tpu.dma_semaphore, #tpu.memory_space<semaphore_mem>>
    tpu.enqueue_indirect_dma source(%dma_start3A_39 : memref<20480x128xf32, #tpu.memory_space<hbm>>) target(%dma_start3A_34 : memref<64x128xf32, #tpu.memory_space<vmem>>) offsets(%dma_start3A_36 : memref<64xi32, #tpu.memory_space<vmem>>) semaphore(%dma_start3A_41 : memref<!tpu.dma_semaphore, #tpu.memory_space<semaphore_mem>>)
    %div3A_42 = arith.constant 1 : i32
    %div3A_43 = arith.constant 40 : i32
    %div3A_44 = arith.divsi %div3A_42, %div3A_43 : i32
    %rem3A_45 = arith.constant 2 : i32
    %rem3A_46 = arith.remsi %div3A_44, %rem3A_45 : i32
    %rem3A_47 = arith.constant 1 : i32
    %rem3A_48 = arith.constant 40 : i32
    %rem3A_49 = arith.remsi %rem3A_47, %rem3A_48 : i32
    %mul3A_50 = arith.constant 64 : i32
    %mul3A_51 = arith.muli %rem3A_49, %mul3A_50 : i32
    %dma_start3A_52 = arith.constant 1 : i32
    %dma_start3A_53 = arith.constant 1 : i32
    %dma_start3A_54 = arith.constant 0 : i32
    %dma_start3A_55 = arith.constant 0 : i32
    %dma_start3A_56 = tpu.memref_slice %arg11[%dma_start3A_52, %dma_start3A_54, %dma_start3A_55] : memref<3x64x128xf32, #tpu.memory_space<vmem>> -> memref<1x64x128xf32, #tpu.memory_space<vmem>>
    %dma_start3A_57 = tpu.memref_squeeze %dma_start3A_56 : memref<1x64x128xf32, #tpu.memory_space<vmem>> -> memref<64x128xf32, #tpu.memory_space<vmem>>
    %dma_start3A_58 = tpu.memref_slice %arg8[%rem3A_46, %mul3A_51] : memref<2x2560xi32, #tpu.memory_space<vmem>> -> memref<1x64xi32, #tpu.memory_space<vmem>>
    %dma_start3A_59 = tpu.memref_squeeze %dma_start3A_58 : memref<1x64xi32, #tpu.memory_space<vmem>> -> memref<64xi32, #tpu.memory_space<vmem>>
    %dma_start3A_60 = arith.constant 0 : i32
    %dma_start3A_61 = arith.constant 0 : i32
    %dma_start3A_62 = tpu.memref_slice %arg2[%dma_start3A_60, %dma_start3A_61] : memref<20480x128xf32, #tpu.memory_space<hbm>> -> memref<20480x128xf32, #tpu.memory_space<hbm>>
    %dma_start3A_63 = tpu.memref_slice %arg12[%dma_start3A_53] : memref<3x!tpu.dma_semaphore, #tpu.memory_space<semaphore_mem>> -> memref<1x!tpu.dma_semaphore, #tpu.memory_space<semaphore_mem>>
    %dma_start3A_64 = tpu.memref_squeeze %dma_start3A_63 : memref<1x!tpu.dma_semaphore, #tpu.memory_space<semaphore_mem>> -> memref<!tpu.dma_semaphore, #tpu.memory_space<semaphore_mem>>
    tpu.enqueue_indirect_dma source(%dma_start3A_62 : memref<20480x128xf32, #tpu.memory_space<hbm>>) target(%dma_start3A_57 : memref<64x128xf32, #tpu.memory_space<vmem>>) offsets(%dma_start3A_59 : memref<64xi32, #tpu.memory_space<vmem>>) semaphore(%dma_start3A_64 : memref<!tpu.dma_semaphore, #tpu.memory_space<semaphore_mem>>)
    %scan3A_65 = arith.constant 0 : i32
    %scan3A_66 = arith.constant 160 : i32
    %scan3A_67 = arith.addi %scan3A_65, %scan3A_66 : i32
    %scan3A_68 = arith.constant 1 : i32
    scf.for %scan3A_89 = %scan3A_65 to %scan3A_67 step %scan3A_68  : i32 {
      %mul3A_90 = arith.constant 1 : i32
      %mul3A_91 = arith.muli %scan3A_89, %mul3A_90 : i32
      %add3A_92 = arith.constant 0 : i32
      %add3A_93 = arith.addi %add3A_92, %mul3A_91 : i32
      %rem3A_94 = arith.constant 40 : i32
      %rem3A_95 = arith.remsi %add3A_93, %rem3A_94 : i32
      %eq3A = arith.constant 38 : i32
      %eq3A_96 = arith.cmpi eq, %rem3A_95, %eq3A : i32
      %div3A_97 = arith.constant 40 : i32
      %div3A_98 = arith.divsi %add3A_93, %div3A_97 : i32
      %add3A_99 = arith.constant 1 : i32
      %add3A_100 = arith.addi %div3A_98, %add3A_99 : i32
      %lt3A = arith.constant 4 : i32
      %lt3A_101 = arith.cmpi slt, %add3A_100, %lt3A : i32
      %and3A = arith.andi %eq3A_96, %lt3A_101 : i1
      %convert_element_type3A = arith.extui %and3A : i1 to i32
      %cond3A = arith.constant 0 : i32
      %cond3A_102 = arith.cmpi ne, %convert_element_type3A, %cond3A : i32
      scf.if %cond3A_102 {
        %div3A_166 = arith.constant 40 : i32
        %div3A_167 = arith.divsi %add3A_93, %div3A_166 : i32
        %add3A_168 = arith.constant 1 : i32
        %add3A_169 = arith.addi %div3A_167, %add3A_168 : i32
        %rem3A_170 = arith.constant 2 : i32
        %rem3A_171 = arith.remsi %add3A_169, %rem3A_170 : i32
        %mul3A_172 = arith.constant 40 : i32
        %mul3A_173 = arith.muli %add3A_169, %mul3A_172 : i32
        %add3A_174 = arith.addi %mul3A_4, %mul3A_173 : i32
        %mul3A_175 = arith.constant 64 : i32
        %mul3A_176 = arith.muli %add3A_174, %mul3A_175 : i32
        "tpu.region"() ({
          %run_scoped3A = tpu.sem_alloc : memref<!tpu.dma_semaphore, #tpu.memory_space<semaphore_mem>>
          %dma_start3A_190 = arith.constant 0 : i32
          %dma_start3A_191 = tpu.memref_slice %arg8[%rem3A_171, %dma_start3A_190] : memref<2x2560xi32, #tpu.memory_space<vmem>> -> memref<1x2560xi32, #tpu.memory_space<vmem>>
          %dma_start3A_192 = tpu.memref_squeeze %dma_start3A_191 : memref<1x2560xi32, #tpu.memory_space<vmem>> -> memref<2560xi32, #tpu.memory_space<vmem>>
          %dma_start3A_193 = tpu.memref_slice %arg3[%mul3A_176] : memref<163840xi32, #tpu.memory_space<hbm>> -> memref<2560xi32, #tpu.memory_space<hbm>>
          %dma_start3A_194 = arith.constant 0 : i32
          %dma_start3A_195 = tpu.memref_slice %arg8[%rem3A_171, %dma_start3A_194] : memref<2x2560xi32, #tpu.memory_space<vmem>> -> memref<1x2560xi32, #tpu.memory_space<vmem>>
          %dma_start3A_196 = tpu.memref_squeeze %dma_start3A_195 : memref<1x2560xi32, #tpu.memory_space<vmem>> -> memref<2560xi32, #tpu.memory_space<vmem>>
          %dma_start3A_197 = tpu.memref_slice %arg3[%mul3A_176] : memref<163840xi32, #tpu.memory_space<hbm>> -> memref<2560xi32, #tpu.memory_space<hbm>>
          tpu.enqueue_dma source(%dma_start3A_197 : memref<2560xi32, #tpu.memory_space<hbm>>) target(%dma_start3A_196 : memref<2560xi32, #tpu.memory_space<vmem>>) target_semaphore(%run_scoped3A : memref<!tpu.dma_semaphore, #tpu.memory_space<semaphore_mem>>)
          %dma_wait3A_198 = arith.constant 0 : i32
          %dma_wait3A_199 = tpu.memref_slice %arg8[%rem3A_171, %dma_wait3A_198] : memref<2x2560xi32, #tpu.memory_space<vmem>> -> memref<1x2560xi32, #tpu.memory_space<vmem>>
          %dma_wait3A_200 = tpu.memref_squeeze %dma_wait3A_199 : memref<1x2560xi32, #tpu.memory_space<vmem>> -> memref<2560xi32, #tpu.memory_space<vmem>>
          %dma_wait3A_201 = tpu.memref_slice %arg3[%mul3A_176] : memref<163840xi32, #tpu.memory_space<hbm>> -> memref<2560xi32, #tpu.memory_space<hbm>>
          %dma_wait3A_202 = arith.constant 0 : i32
          %dma_wait3A_203 = tpu.memref_slice %arg8[%rem3A_171, %dma_wait3A_202] : memref<2x2560xi32, #tpu.memory_space<vmem>> -> memref<1x2560xi32, #tpu.memory_space<vmem>>
          %dma_wait3A_204 = tpu.memref_squeeze %dma_wait3A_203 : memref<1x2560xi32, #tpu.memory_space<vmem>> -> memref<2560xi32, #tpu.memory_space<vmem>>
          %dma_wait3A_205 = tpu.memref_slice %arg3[%mul3A_176] : memref<163840xi32, #tpu.memory_space<hbm>> -> memref<2560xi32, #tpu.memory_space<hbm>>
          tpu.wait_dma2 semaphore(%run_scoped3A : memref<!tpu.dma_semaphore, #tpu.memory_space<semaphore_mem>>) src(%dma_wait3A_205 : memref<2560xi32, #tpu.memory_space<hbm>>) dst(%dma_wait3A_204 : memref<2560xi32, #tpu.memory_space<vmem>>)
          tpu.yield
        }) : () -> ()
        %mul3A_177 = arith.constant 40 : i32
        %mul3A_178 = arith.muli %add3A_169, %mul3A_177 : i32
        %add3A_179 = arith.addi %mul3A_4, %mul3A_178 : i32
        "tpu.region"() ({
          %run_scoped3A = tpu.sem_alloc : memref<!tpu.dma_semaphore, #tpu.memory_space<semaphore_mem>>
          %dma_start3A_190 = arith.constant 0 : i32
          %dma_start3A_191 = arith.constant 0 : i32
          %dma_start3A_192 = arith.constant 0 : i32
          %dma_start3A_193 = tpu.memref_slice %arg9[%rem3A_171, %dma_start3A_190, %dma_start3A_191, %dma_start3A_192] : memref<2x40x1x64xi32, #tpu.memory_space<vmem>> -> memref<1x40x1x64xi32, #tpu.memory_space<vmem>>
          %dma_start3A_194 = tpu.memref_squeeze %dma_start3A_193 : memref<1x40x1x64xi32, #tpu.memory_space<vmem>> -> memref<40x1x64xi32, #tpu.memory_space<vmem>>
          %dma_start3A_195 = arith.constant 0 : i32
          %dma_start3A_196 = arith.constant 0 : i32
          %dma_start3A_197 = tpu.memref_slice %arg4[%add3A_179, %dma_start3A_195, %dma_start3A_196] : memref<2560x1x64xi32, #tpu.memory_space<hbm>> -> memref<40x1x64xi32, #tpu.memory_space<hbm>>
          %dma_start3A_198 = arith.constant 0 : i32
          %dma_start3A_199 = arith.constant 0 : i32
          %dma_start3A_200 = arith.constant 0 : i32
          %dma_start3A_201 = tpu.memref_slice %arg9[%rem3A_171, %dma_start3A_198, %dma_start3A_199, %dma_start3A_200] : memref<2x40x1x64xi32, #tpu.memory_space<vmem>> -> memref<1x40x1x64xi32, #tpu.memory_space<vmem>>
          %dma_start3A_202 = tpu.memref_squeeze %dma_start3A_201 : memref<1x40x1x64xi32, #tpu.memory_space<vmem>> -> memref<40x1x64xi32, #tpu.memory_space<vmem>>
          %dma_start3A_203 = arith.constant 0 : i32
          %dma_start3A_204 = arith.constant 0 : i32
          %dma_start3A_205 = tpu.memref_slice %arg4[%add3A_179, %dma_start3A_203, %dma_start3A_204] : memref<2560x1x64xi32, #tpu.memory_space<hbm>> -> memref<40x1x64xi32, #tpu.memory_space<hbm>>
          tpu.enqueue_dma source(%dma_start3A_205 : memref<40x1x64xi32, #tpu.memory_space<hbm>>) target(%dma_start3A_202 : memref<40x1x64xi32, #tpu.memory_space<vmem>>) target_semaphore(%run_scoped3A : memref<!tpu.dma_semaphore, #tpu.memory_space<semaphore_mem>>)
          %dma_wait3A_206 = arith.constant 0 : i32
          %dma_wait3A_207 = arith.constant 0 : i32
          %dma_wait3A_208 = arith.constant 0 : i32
          %dma_wait3A_209 = tpu.memref_slice %arg9[%rem3A_171, %dma_wait3A_206, %dma_wait3A_207, %dma_wait3A_208] : memref<2x40x1x64xi32, #tpu.memory_space<vmem>> -> memref<1x40x1x64xi32, #tpu.memory_space<vmem>>
          %dma_wait3A_210 = tpu.memref_squeeze %dma_wait3A_209 : memref<1x40x1x64xi32, #tpu.memory_space<vmem>> -> memref<40x1x64xi32, #tpu.memory_space<vmem>>
          %dma_wait3A_211 = arith.constant 0 : i32
          %dma_wait3A_212 = arith.constant 0 : i32
          %dma_wait3A_213 = tpu.memref_slice %arg4[%add3A_179, %dma_wait3A_211, %dma_wait3A_212] : memref<2560x1x64xi32, #tpu.memory_space<hbm>> -> memref<40x1x64xi32, #tpu.memory_space<hbm>>
          %dma_wait3A_214 = arith.constant 0 : i32
          %dma_wait3A_215 = arith.constant 0 : i32
          %dma_wait3A_216 = arith.constant 0 : i32
          %dma_wait3A_217 = tpu.memref_slice %arg9[%rem3A_171, %dma_wait3A_214, %dma_wait3A_215, %dma_wait3A_216] : memref<2x40x1x64xi32, #tpu.memory_space<vmem>> -> memref<1x40x1x64xi32, #tpu.memory_space<vmem>>
          %dma_wait3A_218 = tpu.memref_squeeze %dma_wait3A_217 : memref<1x40x1x64xi32, #tpu.memory_space<vmem>> -> memref<40x1x64xi32, #tpu.memory_space<vmem>>
          %dma_wait3A_219 = arith.constant 0 : i32
          %dma_wait3A_220 = arith.constant 0 : i32
          %dma_wait3A_221 = tpu.memref_slice %arg4[%add3A_179, %dma_wait3A_219, %dma_wait3A_220] : memref<2560x1x64xi32, #tpu.memory_space<hbm>> -> memref<40x1x64xi32, #tpu.memory_space<hbm>>
          tpu.wait_dma2 semaphore(%run_scoped3A : memref<!tpu.dma_semaphore, #tpu.memory_space<semaphore_mem>>) src(%dma_wait3A_221 : memref<40x1x64xi32, #tpu.memory_space<hbm>>) dst(%dma_wait3A_218 : memref<40x1x64xi32, #tpu.memory_space<vmem>>)
          tpu.yield
        }) : () -> ()
        %mul3A_180 = arith.constant 40 : i32
        %mul3A_181 = arith.muli %add3A_169, %mul3A_180 : i32
        %add3A_182 = arith.addi %mul3A_4, %mul3A_181 : i32
        %mul3A_183 = arith.constant 64 : i32
        %mul3A_184 = arith.muli %add3A_182, %mul3A_183 : i32
        "tpu.region"() ({
          %run_scoped3A = tpu.sem_alloc : memref<!tpu.dma_semaphore, #tpu.memory_space<semaphore_mem>>
          %dma_start3A_190 = arith.constant 0 : i32
          %dma_start3A_191 = tpu.memref_slice %arg10[%rem3A_171, %dma_start3A_190] : memref<2x2560xf32, #tpu.memory_space<vmem>> -> memref<1x2560xf32, #tpu.memory_space<vmem>>
          %dma_start3A_192 = tpu.memref_squeeze %dma_start3A_191 : memref<1x2560xf32, #tpu.memory_space<vmem>> -> memref<2560xf32, #tpu.memory_space<vmem>>
          %dma_start3A_193 = tpu.memref_slice %arg5[%mul3A_184] : memref<163840xf32, #tpu.memory_space<hbm>> -> memref<2560xf32, #tpu.memory_space<hbm>>
          %dma_start3A_194 = arith.constant 0 : i32
          %dma_start3A_195 = tpu.memref_slice %arg10[%rem3A_171, %dma_start3A_194] : memref<2x2560xf32, #tpu.memory_space<vmem>> -> memref<1x2560xf32, #tpu.memory_space<vmem>>
          %dma_start3A_196 = tpu.memref_squeeze %dma_start3A_195 : memref<1x2560xf32, #tpu.memory_space<vmem>> -> memref<2560xf32, #tpu.memory_space<vmem>>
          %dma_start3A_197 = tpu.memref_slice %arg5[%mul3A_184] : memref<163840xf32, #tpu.memory_space<hbm>> -> memref<2560xf32, #tpu.memory_space<hbm>>
          tpu.enqueue_dma source(%dma_start3A_197 : memref<2560xf32, #tpu.memory_space<hbm>>) target(%dma_start3A_196 : memref<2560xf32, #tpu.memory_space<vmem>>) target_semaphore(%run_scoped3A : memref<!tpu.dma_semaphore, #tpu.memory_space<semaphore_mem>>)
          %dma_wait3A_198 = arith.constant 0 : i32
          %dma_wait3A_199 = tpu.memref_slice %arg10[%rem3A_171, %dma_wait3A_198] : memref<2x2560xf32, #tpu.memory_space<vmem>> -> memref<1x2560xf32, #tpu.memory_space<vmem>>
          %dma_wait3A_200 = tpu.memref_squeeze %dma_wait3A_199 : memref<1x2560xf32, #tpu.memory_space<vmem>> -> memref<2560xf32, #tpu.memory_space<vmem>>
          %dma_wait3A_201 = tpu.memref_slice %arg5[%mul3A_184] : memref<163840xf32, #tpu.memory_space<hbm>> -> memref<2560xf32, #tpu.memory_space<hbm>>
          %dma_wait3A_202 = arith.constant 0 : i32
          %dma_wait3A_203 = tpu.memref_slice %arg10[%rem3A_171, %dma_wait3A_202] : memref<2x2560xf32, #tpu.memory_space<vmem>> -> memref<1x2560xf32, #tpu.memory_space<vmem>>
          %dma_wait3A_204 = tpu.memref_squeeze %dma_wait3A_203 : memref<1x2560xf32, #tpu.memory_space<vmem>> -> memref<2560xf32, #tpu.memory_space<vmem>>
          %dma_wait3A_205 = tpu.memref_slice %arg5[%mul3A_184] : memref<163840xf32, #tpu.memory_space<hbm>> -> memref<2560xf32, #tpu.memory_space<hbm>>
          tpu.wait_dma2 semaphore(%run_scoped3A : memref<!tpu.dma_semaphore, #tpu.memory_space<semaphore_mem>>) src(%dma_wait3A_205 : memref<2560xf32, #tpu.memory_space<hbm>>) dst(%dma_wait3A_204 : memref<2560xf32, #tpu.memory_space<vmem>>)
          tpu.yield
        }) : () -> ()
        %scan3A_185 = arith.constant 0 : i32
        %scan3A_186 = arith.constant 160 : i32
        %scan3A_187 = arith.addi %scan3A_185, %scan3A_186 : i32
        %scan3A_188 = arith.constant 1 : i32
        scf.for %scan3A_190 = %scan3A_185 to %scan3A_187 step %scan3A_188  : i32 {
          %mul3A_191 = arith.constant 1 : i32
          %mul3A_192 = arith.muli %scan3A_190, %mul3A_191 : i32
          %add3A_193 = arith.constant 0 : i32
          %add3A_194 = arith.addi %add3A_193, %mul3A_192 : i32
          %mul3A_195 = arith.constant 16 : i32
          %mul3A_196 = arith.muli %add3A_194, %mul3A_195 : i32
          %get3A = arith.index_cast %rem3A_171 : i32 to index
          %get3A_197 = arith.index_cast %mul3A_196 : i32 to index
          %get3A_198 = tpu.vector_load %arg8[%get3A, %get3A_197] {strides = array<i32>} : memref<2x2560xi32, #tpu.memory_space<vmem>>, vector<16xi32>,
          %add3A_199 = arith.addi %get3A_198, %broadcast_in_dim3A : vector<16xi32>
          %swap3A = arith.index_cast %rem3A_171 : i32 to index
          %swap3A_200 = arith.index_cast %mul3A_196 : i32 to index
          %swap3A_201 = tpu.vector_load %arg8[%swap3A, %swap3A_200] {strides = array<i32>} : memref<2x2560xi32, #tpu.memory_space<vmem>>, vector<16xi32>,
          tpu.vector_store %arg8[%swap3A, %swap3A_200], %add3A_199 {strides = array<i32>} : memref<2x2560xi32, #tpu.memory_space<vmem>>, vector<16xi32>,
        }
        %scan3A_189 = arith.constant 160 : i32
      } else {
      }
      %rem3A_103 = arith.constant 3 : i32
      %rem3A_104 = arith.remsi %add3A_93, %rem3A_103 : i32
      %dma_wait3A_105 = arith.constant 0 : i32
      %dma_wait3A_106 = arith.constant 0 : i32
      %dma_wait3A_107 = arith.constant 0 : i32
      %dma_wait3A_108 = tpu.memref_slice %arg11[%rem3A_104, %dma_wait3A_106, %dma_wait3A_107] : memref<3x64x128xf32, #tpu.memory_space<vmem>> -> memref<1x64x128xf32, #tpu.memory_space<vmem>>
      %dma_wait3A_109 = tpu.memref_squeeze %dma_wait3A_108 : memref<1x64x128xf32, #tpu.memory_space<vmem>> -> memref<64x128xf32, #tpu.memory_space<vmem>>
      %dma_wait3A_110 = arith.constant 0 : i32
      %dma_wait3A_111 = tpu.memref_slice %arg8[%dma_wait3A_105, %dma_wait3A_110] : memref<2x2560xi32, #tpu.memory_space<vmem>> -> memref<1x64xi32, #tpu.memory_space<vmem>>
      %dma_wait3A_112 = tpu.memref_squeeze %dma_wait3A_111 : memref<1x64xi32, #tpu.memory_space<vmem>> -> memref<64xi32, #tpu.memory_space<vmem>>
      %dma_wait3A_113 = arith.constant 0 : i32
      %dma_wait3A_114 = arith.constant 0 : i32
      %dma_wait3A_115 = tpu.memref_slice %arg2[%dma_wait3A_113, %dma_wait3A_114] : memref<20480x128xf32, #tpu.memory_space<hbm>> -> memref<20480x128xf32, #tpu.memory_space<hbm>>
      %dma_wait3A_116 = tpu.memref_slice %arg12[%rem3A_104] : memref<3x!tpu.dma_semaphore, #tpu.memory_space<semaphore_mem>> -> memref<1x!tpu.dma_semaphore, #tpu.memory_space<semaphore_mem>>
      %dma_wait3A_117 = tpu.memref_squeeze %dma_wait3A_116 : memref<1x!tpu.dma_semaphore, #tpu.memory_space<semaphore_mem>> -> memref<!tpu.dma_semaphore, #tpu.memory_space<semaphore_mem>>
      tpu.wait_indirect_dma semaphore(%dma_wait3A_117 : memref<!tpu.dma_semaphore, #tpu.memory_space<semaphore_mem>>) src(%dma_wait3A_115 : memref<20480x128xf32, #tpu.memory_space<hbm>>) dst(%dma_wait3A_109 : memref<64x128xf32, #tpu.memory_space<vmem>>)
      %div3A_118 = arith.constant 40 : i32
      %div3A_119 = arith.divsi %add3A_93, %div3A_118 : i32
      %rem3A_120 = arith.constant 2 : i32
      %rem3A_121 = arith.remsi %div3A_119, %rem3A_120 : i32
      %rem3A_122 = arith.constant 40 : i32
      %rem3A_123 = arith.remsi %add3A_93, %rem3A_122 : i32
      %mul3A_124 = arith.constant 64 : i32
      %mul3A_125 = arith.muli %rem3A_123, %mul3A_124 : i32
      %broadcast_in_dim3A_126 = vector.broadcast %rem3A_121 : i32 to vector<16xi32>
      %scan3A_127 = arith.constant 0 : i32
      %scan3A_128 = arith.constant 16 : i32
      %scan3A_129 = arith.addi %scan3A_127, %scan3A_128 : i32
      %scan3A_130 = arith.constant 1 : i32
      scf.for %scan3A_166 = %scan3A_127 to %scan3A_129 step %scan3A_130  : i32 {
        %mul3A_167 = arith.constant 4 : i32
        %mul3A_168 = arith.muli %scan3A_166, %mul3A_167 : i32
        %add3A_169 = arith.constant 0 : i32
        %add3A_170 = arith.addi %add3A_169, %mul3A_168 : i32
        %add3A_171 = arith.addi %mul3A_125, %add3A_170 : i32
        %add3A_172 = arith.constant 0 : i32
        %add3A_173 = arith.addi %add3A_171, %add3A_172 : i32
        %broadcast_in_dim3A_174 = vector.broadcast %add3A_173 : i32 to vector<16xi32>
        %gather3A = tpu.vector_load_idx %arg10[%broadcast_in_dim3A_126, %broadcast_in_dim3A_174] : memref<2x2560xf32, #tpu.memory_space<vmem>>[vector<16xi32>, vector<16xi32>], vector<16xf32>,
        %add3A_175 = arith.constant 0 : i32
        %add3A_176 = arith.addi %add3A_170, %add3A_175 : i32
        %get3A = arith.index_cast %rem3A_104 : i32 to index
        %get3A_177 = arith.index_cast %add3A_176 : i32 to index
        %get3A_178 = arith.constant 0 : index
        %get3A_179 = tpu.vector_load %arg11[%get3A, %get3A_177, %get3A_178] {strides = array<i32>} : memref<3x64x128xf32, #tpu.memory_space<vmem>>, vector<16xf32>,
        %mul3A_180 = arith.mulf %get3A_179, %gather3A : vector<16xf32>
        %add3A_181 = arith.constant 0 : i32
        %add3A_182 = arith.addi %add3A_170, %add3A_181 : i32
        %swap3A = arith.index_cast %rem3A_104 : i32 to index
        %swap3A_183 = arith.index_cast %add3A_182 : i32 to index
        %swap3A_184 = arith.constant 0 : index
        %swap3A_185 = tpu.vector_load %arg11[%swap3A, %swap3A_183, %swap3A_184] {strides = array<i32>} : memref<3x64x128xf32, #tpu.memory_space<vmem>>, vector<16xf32>,
        tpu.vector_store %arg11[%swap3A, %swap3A_183, %swap3A_184], %mul3A_180 {strides = array<i32>} : memref<3x64x128xf32, #tpu.memory_space<vmem>>, vector<16xf32>,
        %add3A_186 = arith.constant 0 : i32
        %add3A_187 = arith.addi %add3A_170, %add3A_186 : i32
        %get3A_188 = arith.index_cast %rem3A_104 : i32 to index
        %get3A_189 = arith.index_cast %add3A_187 : i32 to index
        %get3A_190 = arith.constant 16 : index
        %get3A_191 = tpu.vector_load %arg11[%get3A_188, %get3A_189, %get3A_190] {strides = array<i32>} : memref<3x64x128xf32, #tpu.memory_space<vmem>>, vector<16xf32>,
        %mul3A_192 = arith.mulf %get3A_191, %gather3A : vector<16xf32>
        %add3A_193 = arith.constant 0 : i32
        %add3A_194 = arith.addi %add3A_170, %add3A_193 : i32
        %swap3A_195 = arith.index_cast %rem3A_104 : i32 to index
        %swap3A_196 = arith.index_cast %add3A_194 : i32 to index
        %swap3A_197 = arith.constant 16 : index
        %swap3A_198 = tpu.vector_load %arg11[%swap3A_195, %swap3A_196, %swap3A_197] {strides = array<i32>} : memref<3x64x128xf32, #tpu.memory_space<vmem>>, vector<16xf32>,
        tpu.vector_store %arg11[%swap3A_195, %swap3A_196, %swap3A_197], %mul3A_192 {strides = array<i32>} : memref<3x64x128xf32, #tpu.memory_space<vmem>>, vector<16xf32>,
        %add3A_199 = arith.constant 0 : i32
        %add3A_200 = arith.addi %add3A_170, %add3A_199 : i32
        %get3A_201 = arith.index_cast %rem3A_104 : i32 to index
        %get3A_202 = arith.index_cast %add3A_200 : i32 to index
        %get3A_203 = arith.constant 32 : index
        %get3A_204 = tpu.vector_load %arg11[%get3A_201, %get3A_202, %get3A_203] {strides = array<i32>} : memref<3x64x128xf32, #tpu.memory_space<vmem>>, vector<16xf32>,
        %mul3A_205 = arith.mulf %get3A_204, %gather3A : vector<16xf32>
        %add3A_206 = arith.constant 0 : i32
        %add3A_207 = arith.addi %add3A_170, %add3A_206 : i32
        %swap3A_208 = arith.index_cast %rem3A_104 : i32 to index
        %swap3A_209 = arith.index_cast %add3A_207 : i32 to index
        %swap3A_210 = arith.constant 32 : index
        %swap3A_211 = tpu.vector_load %arg11[%swap3A_208, %swap3A_209, %swap3A_210] {strides = array<i32>} : memref<3x64x128xf32, #tpu.memory_space<vmem>>, vector<16xf32>,
        tpu.vector_store %arg11[%swap3A_208, %swap3A_209, %swap3A_210], %mul3A_205 {strides = array<i32>} : memref<3x64x128xf32, #tpu.memory_space<vmem>>, vector<16xf32>,
        %add3A_212 = arith.constant 0 : i32
        %add3A_213 = arith.addi %add3A_170, %add3A_212 : i32
        %get3A_214 = arith.index_cast %rem3A_104 : i32 to index
        %get3A_215 = arith.index_cast %add3A_213 : i32 to index
        %get3A_216 = arith.constant 48 : index
        %get3A_217 = tpu.vector_load %arg11[%get3A_214, %get3A_215, %get3A_216] {strides = array<i32>} : memref<3x64x128xf32, #tpu.memory_space<vmem>>, vector<16xf32>,
        %mul3A_218 = arith.mulf %get3A_217, %gather3A : vector<16xf32>
        %add3A_219 = arith.constant 0 : i32
        %add3A_220 = arith.addi %add3A_170, %add3A_219 : i32
        %swap3A_221 = arith.index_cast %rem3A_104 : i32 to index
        %swap3A_222 = arith.index_cast %add3A_220 : i32 to index
        %swap3A_223 = arith.constant 48 : index
        %swap3A_224 = tpu.vector_load %arg11[%swap3A_221, %swap3A_222, %swap3A_223] {strides = array<i32>} : memref<3x64x128xf32, #tpu.memory_space<vmem>>, vector<16xf32>,
        tpu.vector_store %arg11[%swap3A_221, %swap3A_222, %swap3A_223], %mul3A_218 {strides = array<i32>} : memref<3x64x128xf32, #tpu.memory_space<vmem>>, vector<16xf32>,
        %add3A_225 = arith.constant 0 : i32
        %add3A_226 = arith.addi %add3A_170, %add3A_225 : i32
        %get3A_227 = arith.index_cast %rem3A_104 : i32 to index
        %get3A_228 = arith.index_cast %add3A_226 : i32 to index
        %get3A_229 = arith.constant 64 : index
        %get3A_230 = tpu.vector_load %arg11[%get3A_227, %get3A_228, %get3A_229] {strides = array<i32>} : memref<3x64x128xf32, #tpu.memory_space<vmem>>, vector<16xf32>,
        %mul3A_231 = arith.mulf %get3A_230, %gather3A : vector<16xf32>
        %add3A_232 = arith.constant 0 : i32
        %add3A_233 = arith.addi %add3A_170, %add3A_232 : i32
        %swap3A_234 = arith.index_cast %rem3A_104 : i32 to index
        %swap3A_235 = arith.index_cast %add3A_233 : i32 to index
        %swap3A_236 = arith.constant 64 : index
        %swap3A_237 = tpu.vector_load %arg11[%swap3A_234, %swap3A_235, %swap3A_236] {strides = array<i32>} : memref<3x64x128xf32, #tpu.memory_space<vmem>>, vector<16xf32>,
        tpu.vector_store %arg11[%swap3A_234, %swap3A_235, %swap3A_236], %mul3A_231 {strides = array<i32>} : memref<3x64x128xf32, #tpu.memory_space<vmem>>, vector<16xf32>,
        %add3A_238 = arith.constant 0 : i32
        %add3A_239 = arith.addi %add3A_170, %add3A_238 : i32
        %get3A_240 = arith.index_cast %rem3A_104 : i32 to index
        %get3A_241 = arith.index_cast %add3A_239 : i32 to index
        %get3A_242 = arith.constant 80 : index
        %get3A_243 = tpu.vector_load %arg11[%get3A_240, %get3A_241, %get3A_242] {strides = array<i32>} : memref<3x64x128xf32, #tpu.memory_space<vmem>>, vector<16xf32>,
        %mul3A_244 = arith.mulf %get3A_243, %gather3A : vector<16xf32>
        %add3A_245 = arith.constant 0 : i32
        %add3A_246 = arith.addi %add3A_170, %add3A_245 : i32
        %swap3A_247 = arith.index_cast %rem3A_104 : i32 to index
        %swap3A_248 = arith.index_cast %add3A_246 : i32 to index
        %swap3A_249 = arith.constant 80 : index
        %swap3A_250 = tpu.vector_load %arg11[%swap3A_247, %swap3A_248, %swap3A_249] {strides = array<i32>} : memref<3x64x128xf32, #tpu.memory_space<vmem>>, vector<16xf32>,
        tpu.vector_store %arg11[%swap3A_247, %swap3A_248, %swap3A_249], %mul3A_244 {strides = array<i32>} : memref<3x64x128xf32, #tpu.memory_space<vmem>>, vector<16xf32>,
        %add3A_251 = arith.constant 0 : i32
        %add3A_252 = arith.addi %add3A_170, %add3A_251 : i32
        %get3A_253 = arith.index_cast %rem3A_104 : i32 to index
        %get3A_254 = arith.index_cast %add3A_252 : i32 to index
        %get3A_255 = arith.constant 96 : index
        %get3A_256 = tpu.vector_load %arg11[%get3A_253, %get3A_254, %get3A_255] {strides = array<i32>} : memref<3x64x128xf32, #tpu.memory_space<vmem>>, vector<16xf32>,
        %mul3A_257 = arith.mulf %get3A_256, %gather3A : vector<16xf32>
        %add3A_258 = arith.constant 0 : i32
        %add3A_259 = arith.addi %add3A_170, %add3A_258 : i32
        %swap3A_260 = arith.index_cast %rem3A_104 : i32 to index
        %swap3A_261 = arith.index_cast %add3A_259 : i32 to index
        %swap3A_262 = arith.constant 96 : index
        %swap3A_263 = tpu.vector_load %arg11[%swap3A_260, %swap3A_261, %swap3A_262] {strides = array<i32>} : memref<3x64x128xf32, #tpu.memory_space<vmem>>, vector<16xf32>,
        tpu.vector_store %arg11[%swap3A_260, %swap3A_261, %swap3A_262], %mul3A_257 {strides = array<i32>} : memref<3x64x128xf32, #tpu.memory_space<vmem>>, vector<16xf32>,
        %add3A_264 = arith.constant 0 : i32
        %add3A_265 = arith.addi %add3A_170, %add3A_264 : i32
        %get3A_266 = arith.index_cast %rem3A_104 : i32 to index
        %get3A_267 = arith.index_cast %add3A_265 : i32 to index
        %get3A_268 = arith.constant 112 : index
        %get3A_269 = tpu.vector_load %arg11[%get3A_266, %get3A_267, %get3A_268] {strides = array<i32>} : memref<3x64x128xf32, #tpu.memory_space<vmem>>, vector<16xf32>,
        %mul3A_270 = arith.mulf %get3A_269, %gather3A : vector<16xf32>
        %add3A_271 = arith.constant 0 : i32
        %add3A_272 = arith.addi %add3A_170, %add3A_271 : i32
        %swap3A_273 = arith.index_cast %rem3A_104 : i32 to index
        %swap3A_274 = arith.index_cast %add3A_272 : i32 to index
        %swap3A_275 = arith.constant 112 : index
        %swap3A_276 = tpu.vector_load %arg11[%swap3A_273, %swap3A_274, %swap3A_275] {strides = array<i32>} : memref<3x64x128xf32, #tpu.memory_space<vmem>>, vector<16xf32>,
        tpu.vector_store %arg11[%swap3A_273, %swap3A_274, %swap3A_275], %mul3A_270 {strides = array<i32>} : memref<3x64x128xf32, #tpu.memory_space<vmem>>, vector<16xf32>,
        %add3A_277 = arith.addi %mul3A_125, %add3A_170 : i32
        %add3A_278 = arith.constant 1 : i32
        %add3A_279 = arith.addi %add3A_277, %add3A_278 : i32
        %broadcast_in_dim3A_280 = vector.broadcast %add3A_279 : i32 to vector<16xi32>
        %gather3A_281 = tpu.vector_load_idx %arg10[%broadcast_in_dim3A_126, %broadcast_in_dim3A_280] : memref<2x2560xf32, #tpu.memory_space<vmem>>[vector<16xi32>, vector<16xi32>], vector<16xf32>,
        %add3A_282 = arith.constant 1 : i32
        %add3A_283 = arith.addi %add3A_170, %add3A_282 : i32
        %get3A_284 = arith.index_cast %rem3A_104 : i32 to index
        %get3A_285 = arith.index_cast %add3A_283 : i32 to index
        %get3A_286 = arith.constant 0 : index
        %get3A_287 = tpu.vector_load %arg11[%get3A_284, %get3A_285, %get3A_286] {strides = array<i32>} : memref<3x64x128xf32, #tpu.memory_space<vmem>>, vector<16xf32>,
        %mul3A_288 = arith.mulf %get3A_287, %gather3A_281 : vector<16xf32>
        %add3A_289 = arith.constant 1 : i32
        %add3A_290 = arith.addi %add3A_170, %add3A_289 : i32
        %swap3A_291 = arith.index_cast %rem3A_104 : i32 to index
        %swap3A_292 = arith.index_cast %add3A_290 : i32 to index
        %swap3A_293 = arith.constant 0 : index
        %swap3A_294 = tpu.vector_load %arg11[%swap3A_291, %swap3A_292, %swap3A_293] {strides = array<i32>} : memref<3x64x128xf32, #tpu.memory_space<vmem>>, vector<16xf32>,
        tpu.vector_store %arg11[%swap3A_291, %swap3A_292, %swap3A_293], %mul3A_288 {strides = array<i32>} : memref<3x64x128xf32, #tpu.memory_space<vmem>>, vector<16xf32>,
        %add3A_295 = arith.constant 1 : i32
        %add3A_296 = arith.addi %add3A_170, %add3A_295 : i32
        %get3A_297 = arith.index_cast %rem3A_104 : i32 to index
        %get3A_298 = arith.index_cast %add3A_296 : i32 to index
        %get3A_299 = arith.constant 16 : index
        %get3A_300 = tpu.vector_load %arg11[%get3A_297, %get3A_298, %get3A_299] {strides = array<i32>} : memref<3x64x128xf32, #tpu.memory_space<vmem>>, vector<16xf32>,
        %mul3A_301 = arith.mulf %get3A_300, %gather3A_281 : vector<16xf32>
        %add3A_302 = arith.constant 1 : i32
        %add3A_303 = arith.addi %add3A_170, %add3A_302 : i32
        %swap3A_304 = arith.index_cast %rem3A_104 : i32 to index
        %swap3A_305 = arith.index_cast %add3A_303 : i32 to index
        %swap3A_306 = arith.constant 16 : index
        %swap3A_307 = tpu.vector_load %arg11[%swap3A_304, %swap3A_305, %swap3A_306] {strides = array<i32>} : memref<3x64x128xf32, #tpu.memory_space<vmem>>, vector<16xf32>,
        tpu.vector_store %arg11[%swap3A_304, %swap3A_305, %swap3A_306], %mul3A_301 {strides = array<i32>} : memref<3x64x128xf32, #tpu.memory_space<vmem>>, vector<16xf32>,
        %add3A_308 = arith.constant 1 : i32
        %add3A_309 = arith.addi %add3A_170, %add3A_308 : i32
        %get3A_310 = arith.index_cast %rem3A_104 : i32 to index
        %get3A_311 = arith.index_cast %add3A_309 : i32 to index
        %get3A_312 = arith.constant 32 : index
        %get3A_313 = tpu.vector_load %arg11[%get3A_310, %get3A_311, %get3A_312] {strides = array<i32>} : memref<3x64x128xf32, #tpu.memory_space<vmem>>, vector<16xf32>,
        %mul3A_314 = arith.mulf %get3A_313, %gather3A_281 : vector<16xf32>
        %add3A_315 = arith.constant 1 : i32
        %add3A_316 = arith.addi %add3A_170, %add3A_315 : i32
        %swap3A_317 = arith.index_cast %rem3A_104 : i32 to index
        %swap3A_318 = arith.index_cast %add3A_316 : i32 to index
        %swap3A_319 = arith.constant 32 : index
        %swap3A_320 = tpu.vector_load %arg11[%swap3A_317, %swap3A_318, %swap3A_319] {strides = array<i32>} : memref<3x64x128xf32, #tpu.memory_space<vmem>>, vector<16xf32>,
        tpu.vector_store %arg11[%swap3A_317, %swap3A_318, %swap3A_319], %mul3A_314 {strides = array<i32>} : memref<3x64x128xf32, #tpu.memory_space<vmem>>, vector<16xf32>,
        %add3A_321 = arith.constant 1 : i32
        %add3A_322 = arith.addi %add3A_170, %add3A_321 : i32
        %get3A_323 = arith.index_cast %rem3A_104 : i32 to index
        %get3A_324 = arith.index_cast %add3A_322 : i32 to index
        %get3A_325 = arith.constant 48 : index
        %get3A_326 = tpu.vector_load %arg11[%get3A_323, %get3A_324, %get3A_325] {strides = array<i32>} : memref<3x64x128xf32, #tpu.memory_space<vmem>>, vector<16xf32>,
        %mul3A_327 = arith.mulf %get3A_326, %gather3A_281 : vector<16xf32>
        %add3A_328 = arith.constant 1 : i32
        %add3A_329 = arith.addi %add3A_170, %add3A_328 : i32
        %swap3A_330 = arith.index_cast %rem3A_104 : i32 to index
        %swap3A_331 = arith.index_cast %add3A_329 : i32 to index
        %swap3A_332 = arith.constant 48 : index
        %swap3A_333 = tpu.vector_load %arg11[%swap3A_330, %swap3A_331, %swap3A_332] {strides = array<i32>} : memref<3x64x128xf32, #tpu.memory_space<vmem>>, vector<16xf32>,
        tpu.vector_store %arg11[%swap3A_330, %swap3A_331, %swap3A_332], %mul3A_327 {strides = array<i32>} : memref<3x64x128xf32, #tpu.memory_space<vmem>>, vector<16xf32>,
        %add3A_334 = arith.constant 1 : i32
        %add3A_335 = arith.addi %add3A_170, %add3A_334 : i32
        %get3A_336 = arith.index_cast %rem3A_104 : i32 to index
        %get3A_337 = arith.index_cast %add3A_335 : i32 to index
        %get3A_338 = arith.constant 64 : index
        %get3A_339 = tpu.vector_load %arg11[%get3A_336, %get3A_337, %get3A_338] {strides = array<i32>} : memref<3x64x128xf32, #tpu.memory_space<vmem>>, vector<16xf32>,
        %mul3A_340 = arith.mulf %get3A_339, %gather3A_281 : vector<16xf32>
        %add3A_341 = arith.constant 1 : i32
        %add3A_342 = arith.addi %add3A_170, %add3A_341 : i32
        %swap3A_343 = arith.index_cast %rem3A_104 : i32 to index
        %swap3A_344 = arith.index_cast %add3A_342 : i32 to index
        %swap3A_345 = arith.constant 64 : index
        %swap3A_346 = tpu.vector_load %arg11[%swap3A_343, %swap3A_344, %swap3A_345] {strides = array<i32>} : memref<3x64x128xf32, #tpu.memory_space<vmem>>, vector<16xf32>,
        tpu.vector_store %arg11[%swap3A_343, %swap3A_344, %swap3A_345], %mul3A_340 {strides = array<i32>} : memref<3x64x128xf32, #tpu.memory_space<vmem>>, vector<16xf32>,
        %add3A_347 = arith.constant 1 : i32
        %add3A_348 = arith.addi %add3A_170, %add3A_347 : i32
        %get3A_349 = arith.index_cast %rem3A_104 : i32 to index
        %get3A_350 = arith.index_cast %add3A_348 : i32 to index
        %get3A_351 = arith.constant 80 : index
        %get3A_352 = tpu.vector_load %arg11[%get3A_349, %get3A_350, %get3A_351] {strides = array<i32>} : memref<3x64x128xf32, #tpu.memory_space<vmem>>, vector<16xf32>,
        %mul3A_353 = arith.mulf %get3A_352, %gather3A_281 : vector<16xf32>
        %add3A_354 = arith.constant 1 : i32
        %add3A_355 = arith.addi %add3A_170, %add3A_354 : i32
        %swap3A_356 = arith.index_cast %rem3A_104 : i32 to index
        %swap3A_357 = arith.index_cast %add3A_355 : i32 to index
        %swap3A_358 = arith.constant 80 : index
        %swap3A_359 = tpu.vector_load %arg11[%swap3A_356, %swap3A_357, %swap3A_358] {strides = array<i32>} : memref<3x64x128xf32, #tpu.memory_space<vmem>>, vector<16xf32>,
        tpu.vector_store %arg11[%swap3A_356, %swap3A_357, %swap3A_358], %mul3A_353 {strides = array<i32>} : memref<3x64x128xf32, #tpu.memory_space<vmem>>, vector<16xf32>,
        %add3A_360 = arith.constant 1 : i32
        %add3A_361 = arith.addi %add3A_170, %add3A_360 : i32
        %get3A_362 = arith.index_cast %rem3A_104 : i32 to index
        %get3A_363 = arith.index_cast %add3A_361 : i32 to index
        %get3A_364 = arith.constant 96 : index
        %get3A_365 = tpu.vector_load %arg11[%get3A_362, %get3A_363, %get3A_364] {strides = array<i32>} : memref<3x64x128xf32, #tpu.memory_space<vmem>>, vector<16xf32>,
        %mul3A_366 = arith.mulf %get3A_365, %gather3A_281 : vector<16xf32>
        %add3A_367 = arith.constant 1 : i32
        %add3A_368 = arith.addi %add3A_170, %add3A_367 : i32
        %swap3A_369 = arith.index_cast %rem3A_104 : i32 to index
        %swap3A_370 = arith.index_cast %add3A_368 : i32 to index
        %swap3A_371 = arith.constant 96 : index
        %swap3A_372 = tpu.vector_load %arg11[%swap3A_369, %swap3A_370, %swap3A_371] {strides = array<i32>} : memref<3x64x128xf32, #tpu.memory_space<vmem>>, vector<16xf32>,
        tpu.vector_store %arg11[%swap3A_369, %swap3A_370, %swap3A_371], %mul3A_366 {strides = array<i32>} : memref<3x64x128xf32, #tpu.memory_space<vmem>>, vector<16xf32>,
        %add3A_373 = arith.constant 1 : i32
        %add3A_374 = arith.addi %add3A_170, %add3A_373 : i32
        %get3A_375 = arith.index_cast %rem3A_104 : i32 to index
        %get3A_376 = arith.index_cast %add3A_374 : i32 to index
        %get3A_377 = arith.constant 112 : index
        %get3A_378 = tpu.vector_load %arg11[%get3A_375, %get3A_376, %get3A_377] {strides = array<i32>} : memref<3x64x128xf32, #tpu.memory_space<vmem>>, vector<16xf32>,
        %mul3A_379 = arith.mulf %get3A_378, %gather3A_281 : vector<16xf32>
        %add3A_380 = arith.constant 1 : i32
        %add3A_381 = arith.addi %add3A_170, %add3A_380 : i32
        %swap3A_382 = arith.index_cast %rem3A_104 : i32 to index
        %swap3A_383 = arith.index_cast %add3A_381 : i32 to index
        %swap3A_384 = arith.constant 112 : index
        %swap3A_385 = tpu.vector_load %arg11[%swap3A_382, %swap3A_383, %swap3A_384] {strides = array<i32>} : memref<3x64x128xf32, #tpu.memory_space<vmem>>, vector<16xf32>,
        tpu.vector_store %arg11[%swap3A_382, %swap3A_383, %swap3A_384], %mul3A_379 {strides = array<i32>} : memref<3x64x128xf32, #tpu.memory_space<vmem>>, vector<16xf32>,
        %add3A_386 = arith.addi %mul3A_125, %add3A_170 : i32
        %add3A_387 = arith.constant 2 : i32
        %add3A_388 = arith.addi %add3A_386, %add3A_387 : i32
        %broadcast_in_dim3A_389 = vector.broadcast %add3A_388 : i32 to vector<16xi32>
        %gather3A_390 = tpu.vector_load_idx %arg10[%broadcast_in_dim3A_126, %broadcast_in_dim3A_389] : memref<2x2560xf32, #tpu.memory_space<vmem>>[vector<16xi32>, vector<16xi32>], vector<16xf32>,
        %add3A_391 = arith.constant 2 : i32
        %add3A_392 = arith.addi %add3A_170, %add3A_391 : i32
        %get3A_393 = arith.index_cast %rem3A_104 : i32 to index
        %get3A_394 = arith.index_cast %add3A_392 : i32 to index
        %get3A_395 = arith.constant 0 : index
        %get3A_396 = tpu.vector_load %arg11[%get3A_393, %get3A_394, %get3A_395] {strides = array<i32>} : memref<3x64x128xf32, #tpu.memory_space<vmem>>, vector<16xf32>,
        %mul3A_397 = arith.mulf %get3A_396, %gather3A_390 : vector<16xf32>
        %add3A_398 = arith.constant 2 : i32
        %add3A_399 = arith.addi %add3A_170, %add3A_398 : i32
        %swap3A_400 = arith.index_cast %rem3A_104 : i32 to index
        %swap3A_401 = arith.index_cast %add3A_399 : i32 to index
        %swap3A_402 = arith.constant 0 : index
        %swap3A_403 = tpu.vector_load %arg11[%swap3A_400, %swap3A_401, %swap3A_402] {strides = array<i32>} : memref<3x64x128xf32, #tpu.memory_space<vmem>>, vector<16xf32>,
        tpu.vector_store %arg11[%swap3A_400, %swap3A_401, %swap3A_402], %mul3A_397 {strides = array<i32>} : memref<3x64x128xf32, #tpu.memory_space<vmem>>, vector<16xf32>,
        %add3A_404 = arith.constant 2 : i32
        %add3A_405 = arith.addi %add3A_170, %add3A_404 : i32
        %get3A_406 = arith.index_cast %rem3A_104 : i32 to index
        %get3A_407 = arith.index_cast %add3A_405 : i32 to index
        %get3A_408 = arith.constant 16 : index
        %get3A_409 = tpu.vector_load %arg11[%get3A_406, %get3A_407, %get3A_408] {strides = array<i32>} : memref<3x64x128xf32, #tpu.memory_space<vmem>>, vector<16xf32>,
        %mul3A_410 = arith.mulf %get3A_409, %gather3A_390 : vector<16xf32>
        %add3A_411 = arith.constant 2 : i32
        %add3A_412 = arith.addi %add3A_170, %add3A_411 : i32
        %swap3A_413 = arith.index_cast %rem3A_104 : i32 to index
        %swap3A_414 = arith.index_cast %add3A_412 : i32 to index
        %swap3A_415 = arith.constant 16 : index
        %swap3A_416 = tpu.vector_load %arg11[%swap3A_413, %swap3A_414, %swap3A_415] {strides = array<i32>} : memref<3x64x128xf32, #tpu.memory_space<vmem>>, vector<16xf32>,
        tpu.vector_store %arg11[%swap3A_413, %swap3A_414, %swap3A_415], %mul3A_410 {strides = array<i32>} : memref<3x64x128xf32, #tpu.memory_space<vmem>>, vector<16xf32>,
        %add3A_417 = arith.constant 2 : i32
        %add3A_418 = arith.addi %add3A_170, %add3A_417 : i32
        %get3A_419 = arith.index_cast %rem3A_104 : i32 to index
        %get3A_420 = arith.index_cast %add3A_418 : i32 to index
        %get3A_421 = arith.constant 32 : index
        %get3A_422 = tpu.vector_load %arg11[%get3A_419, %get3A_420, %get3A_421] {strides = array<i32>} : memref<3x64x128xf32, #tpu.memory_space<vmem>>, vector<16xf32>,
        %mul3A_423 = arith.mulf %get3A_422, %gather3A_390 : vector<16xf32>
        %add3A_424 = arith.constant 2 : i32
        %add3A_425 = arith.addi %add3A_170, %add3A_424 : i32
        %swap3A_426 = arith.index_cast %rem3A_104 : i32 to index
        %swap3A_427 = arith.index_cast %add3A_425 : i32 to index
        %swap3A_428 = arith.constant 32 : index
        %swap3A_429 = tpu.vector_load %arg11[%swap3A_426, %swap3A_427, %swap3A_428] {strides = array<i32>} : memref<3x64x128xf32, #tpu.memory_space<vmem>>, vector<16xf32>,
        tpu.vector_store %arg11[%swap3A_426, %swap3A_427, %swap3A_428], %mul3A_423 {strides = array<i32>} : memref<3x64x128xf32, #tpu.memory_space<vmem>>, vector<16xf32>,
        %add3A_430 = arith.constant 2 : i32
        %add3A_431 = arith.addi %add3A_170, %add3A_430 : i32
        %get3A_432 = arith.index_cast %rem3A_104 : i32 to index
        %get3A_433 = arith.index_cast %add3A_431 : i32 to index
        %get3A_434 = arith.constant 48 : index
        %get3A_435 = tpu.vector_load %arg11[%get3A_432, %get3A_433, %get3A_434] {strides = array<i32>} : memref<3x64x128xf32, #tpu.memory_space<vmem>>, vector<16xf32>,
        %mul3A_436 = arith.mulf %get3A_435, %gather3A_390 : vector<16xf32>
        %add3A_437 = arith.constant 2 : i32
        %add3A_438 = arith.addi %add3A_170, %add3A_437 : i32
        %swap3A_439 = arith.index_cast %rem3A_104 : i32 to index
        %swap3A_440 = arith.index_cast %add3A_438 : i32 to index
        %swap3A_441 = arith.constant 48 : index
        %swap3A_442 = tpu.vector_load %arg11[%swap3A_439, %swap3A_440, %swap3A_441] {strides = array<i32>} : memref<3x64x128xf32, #tpu.memory_space<vmem>>, vector<16xf32>,
        tpu.vector_store %arg11[%swap3A_439, %swap3A_440, %swap3A_441], %mul3A_436 {strides = array<i32>} : memref<3x64x128xf32, #tpu.memory_space<vmem>>, vector<16xf32>,
        %add3A_443 = arith.constant 2 : i32
        %add3A_444 = arith.addi %add3A_170, %add3A_443 : i32
        %get3A_445 = arith.index_cast %rem3A_104 : i32 to index
        %get3A_446 = arith.index_cast %add3A_444 : i32 to index
        %get3A_447 = arith.constant 64 : index
        %get3A_448 = tpu.vector_load %arg11[%get3A_445, %get3A_446, %get3A_447] {strides = array<i32>} : memref<3x64x128xf32, #tpu.memory_space<vmem>>, vector<16xf32>,
        %mul3A_449 = arith.mulf %get3A_448, %gather3A_390 : vector<16xf32>
        %add3A_450 = arith.constant 2 : i32
        %add3A_451 = arith.addi %add3A_170, %add3A_450 : i32
        %swap3A_452 = arith.index_cast %rem3A_104 : i32 to index
        %swap3A_453 = arith.index_cast %add3A_451 : i32 to index
        %swap3A_454 = arith.constant 64 : index
        %swap3A_455 = tpu.vector_load %arg11[%swap3A_452, %swap3A_453, %swap3A_454] {strides = array<i32>} : memref<3x64x128xf32, #tpu.memory_space<vmem>>, vector<16xf32>,
        tpu.vector_store %arg11[%swap3A_452, %swap3A_453, %swap3A_454], %mul3A_449 {strides = array<i32>} : memref<3x64x128xf32, #tpu.memory_space<vmem>>, vector<16xf32>,
        %add3A_456 = arith.constant 2 : i32
        %add3A_457 = arith.addi %add3A_170, %add3A_456 : i32
        %get3A_458 = arith.index_cast %rem3A_104 : i32 to index
        %get3A_459 = arith.index_cast %add3A_457 : i32 to index
        %get3A_460 = arith.constant 80 : index
        %get3A_461 = tpu.vector_load %arg11[%get3A_458, %get3A_459, %get3A_460] {strides = array<i32>} : memref<3x64x128xf32, #tpu.memory_space<vmem>>, vector<16xf32>,
        %mul3A_462 = arith.mulf %get3A_461, %gather3A_390 : vector<16xf32>
        %add3A_463 = arith.constant 2 : i32
        %add3A_464 = arith.addi %add3A_170, %add3A_463 : i32
        %swap3A_465 = arith.index_cast %rem3A_104 : i32 to index
        %swap3A_466 = arith.index_cast %add3A_464 : i32 to index
        %swap3A_467 = arith.constant 80 : index
        %swap3A_468 = tpu.vector_load %arg11[%swap3A_465, %swap3A_466, %swap3A_467] {strides = array<i32>} : memref<3x64x128xf32, #tpu.memory_space<vmem>>, vector<16xf32>,
        tpu.vector_store %arg11[%swap3A_465, %swap3A_466, %swap3A_467], %mul3A_462 {strides = array<i32>} : memref<3x64x128xf32, #tpu.memory_space<vmem>>, vector<16xf32>,
        %add3A_469 = arith.constant 2 : i32
        %add3A_470 = arith.addi %add3A_170, %add3A_469 : i32
        %get3A_471 = arith.index_cast %rem3A_104 : i32 to index
        %get3A_472 = arith.index_cast %add3A_470 : i32 to index
        %get3A_473 = arith.constant 96 : index
        %get3A_474 = tpu.vector_load %arg11[%get3A_471, %get3A_472, %get3A_473] {strides = array<i32>} : memref<3x64x128xf32, #tpu.memory_space<vmem>>, vector<16xf32>,
        %mul3A_475 = arith.mulf %get3A_474, %gather3A_390 : vector<16xf32>
        %add3A_476 = arith.constant 2 : i32
        %add3A_477 = arith.addi %add3A_170, %add3A_476 : i32
        %swap3A_478 = arith.index_cast %rem3A_104 : i32 to index
        %swap3A_479 = arith.index_cast %add3A_477 : i32 to index
        %swap3A_480 = arith.constant 96 : index
        %swap3A_481 = tpu.vector_load %arg11[%swap3A_478, %swap3A_479, %swap3A_480] {strides = array<i32>} : memref<3x64x128xf32, #tpu.memory_space<vmem>>, vector<16xf32>,
        tpu.vector_store %arg11[%swap3A_478, %swap3A_479, %swap3A_480], %mul3A_475 {strides = array<i32>} : memref<3x64x128xf32, #tpu.memory_space<vmem>>, vector<16xf32>,
        %add3A_482 = arith.constant 2 : i32
        %add3A_483 = arith.addi %add3A_170, %add3A_482 : i32
        %get3A_484 = arith.index_cast %rem3A_104 : i32 to index
        %get3A_485 = arith.index_cast %add3A_483 : i32 to index
        %get3A_486 = arith.constant 112 : index
        %get3A_487 = tpu.vector_load %arg11[%get3A_484, %get3A_485, %get3A_486] {strides = array<i32>} : memref<3x64x128xf32, #tpu.memory_space<vmem>>, vector<16xf32>,
        %mul3A_488 = arith.mulf %get3A_487, %gather3A_390 : vector<16xf32>
        %add3A_489 = arith.constant 2 : i32
        %add3A_490 = arith.addi %add3A_170, %add3A_489 : i32
        %swap3A_491 = arith.index_cast %rem3A_104 : i32 to index
        %swap3A_492 = arith.index_cast %add3A_490 : i32 to index
        %swap3A_493 = arith.constant 112 : index
        %swap3A_494 = tpu.vector_load %arg11[%swap3A_491, %swap3A_492, %swap3A_493] {strides = array<i32>} : memref<3x64x128xf32, #tpu.memory_space<vmem>>, vector<16xf32>,
        tpu.vector_store %arg11[%swap3A_491, %swap3A_492, %swap3A_493], %mul3A_488 {strides = array<i32>} : memref<3x64x128xf32, #tpu.memory_space<vmem>>, vector<16xf32>,
        %add3A_495 = arith.addi %mul3A_125, %add3A_170 : i32
        %add3A_496 = arith.constant 3 : i32
        %add3A_497 = arith.addi %add3A_495, %add3A_496 : i32
        %broadcast_in_dim3A_498 = vector.broadcast %add3A_497 : i32 to vector<16xi32>
        %gather3A_499 = tpu.vector_load_idx %arg10[%broadcast_in_dim3A_126, %broadcast_in_dim3A_498] : memref<2x2560xf32, #tpu.memory_space<vmem>>[vector<16xi32>, vector<16xi32>], vector<16xf32>,
        %add3A_500 = arith.constant 3 : i32
        %add3A_501 = arith.addi %add3A_170, %add3A_500 : i32
        %get3A_502 = arith.index_cast %rem3A_104 : i32 to index
        %get3A_503 = arith.index_cast %add3A_501 : i32 to index
        %get3A_504 = arith.constant 0 : index
        %get3A_505 = tpu.vector_load %arg11[%get3A_502, %get3A_503, %get3A_504] {strides = array<i32>} : memref<3x64x128xf32, #tpu.memory_space<vmem>>, vector<16xf32>,
        %mul3A_506 = arith.mulf %get3A_505, %gather3A_499 : vector<16xf32>
        %add3A_507 = arith.constant 3 : i32
        %add3A_508 = arith.addi %add3A_170, %add3A_507 : i32
        %swap3A_509 = arith.index_cast %rem3A_104 : i32 to index
        %swap3A_510 = arith.index_cast %add3A_508 : i32 to index
        %swap3A_511 = arith.constant 0 : index
        %swap3A_512 = tpu.vector_load %arg11[%swap3A_509, %swap3A_510, %swap3A_511] {strides = array<i32>} : memref<3x64x128xf32, #tpu.memory_space<vmem>>, vector<16xf32>,
        tpu.vector_store %arg11[%swap3A_509, %swap3A_510, %swap3A_511], %mul3A_506 {strides = array<i32>} : memref<3x64x128xf32, #tpu.memory_space<vmem>>, vector<16xf32>,
        %add3A_513 = arith.constant 3 : i32
        %add3A_514 = arith.addi %add3A_170, %add3A_513 : i32
        %get3A_515 = arith.index_cast %rem3A_104 : i32 to index
        %get3A_516 = arith.index_cast %add3A_514 : i32 to index
        %get3A_517 = arith.constant 16 : index
        %get3A_518 = tpu.vector_load %arg11[%get3A_515, %get3A_516, %get3A_517] {strides = array<i32>} : memref<3x64x128xf32, #tpu.memory_space<vmem>>, vector<16xf32>,
        %mul3A_519 = arith.mulf %get3A_518, %gather3A_499 : vector<16xf32>
        %add3A_520 = arith.constant 3 : i32
        %add3A_521 = arith.addi %add3A_170, %add3A_520 : i32
        %swap3A_522 = arith.index_cast %rem3A_104 : i32 to index
        %swap3A_523 = arith.index_cast %add3A_521 : i32 to index
        %swap3A_524 = arith.constant 16 : index
        %swap3A_525 = tpu.vector_load %arg11[%swap3A_522, %swap3A_523, %swap3A_524] {strides = array<i32>} : memref<3x64x128xf32, #tpu.memory_space<vmem>>, vector<16xf32>,
        tpu.vector_store %arg11[%swap3A_522, %swap3A_523, %swap3A_524], %mul3A_519 {strides = array<i32>} : memref<3x64x128xf32, #tpu.memory_space<vmem>>, vector<16xf32>,
        %add3A_526 = arith.constant 3 : i32
        %add3A_527 = arith.addi %add3A_170, %add3A_526 : i32
        %get3A_528 = arith.index_cast %rem3A_104 : i32 to index
        %get3A_529 = arith.index_cast %add3A_527 : i32 to index
        %get3A_530 = arith.constant 32 : index
        %get3A_531 = tpu.vector_load %arg11[%get3A_528, %get3A_529, %get3A_530] {strides = array<i32>} : memref<3x64x128xf32, #tpu.memory_space<vmem>>, vector<16xf32>,
        %mul3A_532 = arith.mulf %get3A_531, %gather3A_499 : vector<16xf32>
        %add3A_533 = arith.constant 3 : i32
        %add3A_534 = arith.addi %add3A_170, %add3A_533 : i32
        %swap3A_535 = arith.index_cast %rem3A_104 : i32 to index
        %swap3A_536 = arith.index_cast %add3A_534 : i32 to index
        %swap3A_537 = arith.constant 32 : index
        %swap3A_538 = tpu.vector_load %arg11[%swap3A_535, %swap3A_536, %swap3A_537] {strides = array<i32>} : memref<3x64x128xf32, #tpu.memory_space<vmem>>, vector<16xf32>,
        tpu.vector_store %arg11[%swap3A_535, %swap3A_536, %swap3A_537], %mul3A_532 {strides = array<i32>} : memref<3x64x128xf32, #tpu.memory_space<vmem>>, vector<16xf32>,
        %add3A_539 = arith.constant 3 : i32
        %add3A_540 = arith.addi %add3A_170, %add3A_539 : i32
        %get3A_541 = arith.index_cast %rem3A_104 : i32 to index
        %get3A_542 = arith.index_cast %add3A_540 : i32 to index
        %get3A_543 = arith.constant 48 : index
        %get3A_544 = tpu.vector_load %arg11[%get3A_541, %get3A_542, %get3A_543] {strides = array<i32>} : memref<3x64x128xf32, #tpu.memory_space<vmem>>, vector<16xf32>,
        %mul3A_545 = arith.mulf %get3A_544, %gather3A_499 : vector<16xf32>
        %add3A_546 = arith.constant 3 : i32
        %add3A_547 = arith.addi %add3A_170, %add3A_546 : i32
        %swap3A_548 = arith.index_cast %rem3A_104 : i32 to index
        %swap3A_549 = arith.index_cast %add3A_547 : i32 to index
        %swap3A_550 = arith.constant 48 : index
        %swap3A_551 = tpu.vector_load %arg11[%swap3A_548, %swap3A_549, %swap3A_550] {strides = array<i32>} : memref<3x64x128xf32, #tpu.memory_space<vmem>>, vector<16xf32>,
        tpu.vector_store %arg11[%swap3A_548, %swap3A_549, %swap3A_550], %mul3A_545 {strides = array<i32>} : memref<3x64x128xf32, #tpu.memory_space<vmem>>, vector<16xf32>,
        %add3A_552 = arith.constant 3 : i32
        %add3A_553 = arith.addi %add3A_170, %add3A_552 : i32
        %get3A_554 = arith.index_cast %rem3A_104 : i32 to index
        %get3A_555 = arith.index_cast %add3A_553 : i32 to index
        %get3A_556 = arith.constant 64 : index
        %get3A_557 = tpu.vector_load %arg11[%get3A_554, %get3A_555, %get3A_556] {strides = array<i32>} : memref<3x64x128xf32, #tpu.memory_space<vmem>>, vector<16xf32>,
        %mul3A_558 = arith.mulf %get3A_557, %gather3A_499 : vector<16xf32>
        %add3A_559 = arith.constant 3 : i32
        %add3A_560 = arith.addi %add3A_170, %add3A_559 : i32
        %swap3A_561 = arith.index_cast %rem3A_104 : i32 to index
        %swap3A_562 = arith.index_cast %add3A_560 : i32 to index
        %swap3A_563 = arith.constant 64 : index
        %swap3A_564 = tpu.vector_load %arg11[%swap3A_561, %swap3A_562, %swap3A_563] {strides = array<i32>} : memref<3x64x128xf32, #tpu.memory_space<vmem>>, vector<16xf32>,
        tpu.vector_store %arg11[%swap3A_561, %swap3A_562, %swap3A_563], %mul3A_558 {strides = array<i32>} : memref<3x64x128xf32, #tpu.memory_space<vmem>>, vector<16xf32>,
        %add3A_565 = arith.constant 3 : i32
        %add3A_566 = arith.addi %add3A_170, %add3A_565 : i32
        %get3A_567 = arith.index_cast %rem3A_104 : i32 to index
        %get3A_568 = arith.index_cast %add3A_566 : i32 to index
        %get3A_569 = arith.constant 80 : index
        %get3A_570 = tpu.vector_load %arg11[%get3A_567, %get3A_568, %get3A_569] {strides = array<i32>} : memref<3x64x128xf32, #tpu.memory_space<vmem>>, vector<16xf32>,
        %mul3A_571 = arith.mulf %get3A_570, %gather3A_499 : vector<16xf32>
        %add3A_572 = arith.constant 3 : i32
        %add3A_573 = arith.addi %add3A_170, %add3A_572 : i32
        %swap3A_574 = arith.index_cast %rem3A_104 : i32 to index
        %swap3A_575 = arith.index_cast %add3A_573 : i32 to index
        %swap3A_576 = arith.constant 80 : index
        %swap3A_577 = tpu.vector_load %arg11[%swap3A_574, %swap3A_575, %swap3A_576] {strides = array<i32>} : memref<3x64x128xf32, #tpu.memory_space<vmem>>, vector<16xf32>,
        tpu.vector_store %arg11[%swap3A_574, %swap3A_575, %swap3A_576], %mul3A_571 {strides = array<i32>} : memref<3x64x128xf32, #tpu.memory_space<vmem>>, vector<16xf32>,
        %add3A_578 = arith.constant 3 : i32
        %add3A_579 = arith.addi %add3A_170, %add3A_578 : i32
        %get3A_580 = arith.index_cast %rem3A_104 : i32 to index
        %get3A_581 = arith.index_cast %add3A_579 : i32 to index
        %get3A_582 = arith.constant 96 : index
        %get3A_583 = tpu.vector_load %arg11[%get3A_580, %get3A_581, %get3A_582] {strides = array<i32>} : memref<3x64x128xf32, #tpu.memory_space<vmem>>, vector<16xf32>,
        %mul3A_584 = arith.mulf %get3A_583, %gather3A_499 : vector<16xf32>
        %add3A_585 = arith.constant 3 : i32
        %add3A_586 = arith.addi %add3A_170, %add3A_585 : i32
        %swap3A_587 = arith.index_cast %rem3A_104 : i32 to index
        %swap3A_588 = arith.index_cast %add3A_586 : i32 to index
        %swap3A_589 = arith.constant 96 : index
        %swap3A_590 = tpu.vector_load %arg11[%swap3A_587, %swap3A_588, %swap3A_589] {strides = array<i32>} : memref<3x64x128xf32, #tpu.memory_space<vmem>>, vector<16xf32>,
        tpu.vector_store %arg11[%swap3A_587, %swap3A_588, %swap3A_589], %mul3A_584 {strides = array<i32>} : memref<3x64x128xf32, #tpu.memory_space<vmem>>, vector<16xf32>,
        %add3A_591 = arith.constant 3 : i32
        %add3A_592 = arith.addi %add3A_170, %add3A_591 : i32
        %get3A_593 = arith.index_cast %rem3A_104 : i32 to index
        %get3A_594 = arith.index_cast %add3A_592 : i32 to index
        %get3A_595 = arith.constant 112 : index
        %get3A_596 = tpu.vector_load %arg11[%get3A_593, %get3A_594, %get3A_595] {strides = array<i32>} : memref<3x64x128xf32, #tpu.memory_space<vmem>>, vector<16xf32>,
        %mul3A_597 = arith.mulf %get3A_596, %gather3A_499 : vector<16xf32>
        %add3A_598 = arith.constant 3 : i32
        %add3A_599 = arith.addi %add3A_170, %add3A_598 : i32
        %swap3A_600 = arith.index_cast %rem3A_104 : i32 to index
        %swap3A_601 = arith.index_cast %add3A_599 : i32 to index
        %swap3A_602 = arith.constant 112 : index
        %swap3A_603 = tpu.vector_load %arg11[%swap3A_600, %swap3A_601, %swap3A_602] {strides = array<i32>} : memref<3x64x128xf32, #tpu.memory_space<vmem>>, vector<16xf32>,
        tpu.vector_store %arg11[%swap3A_600, %swap3A_601, %swap3A_602], %mul3A_597 {strides = array<i32>} : memref<3x64x128xf32, #tpu.memory_space<vmem>>, vector<16xf32>,
      }
      %scan3A_131 = arith.constant 16 : i32
      %div3A_132 = arith.constant 40 : i32
      %div3A_133 = arith.divsi %add3A_93, %div3A_132 : i32
      %rem3A_134 = arith.constant 2 : i32
      %rem3A_135 = arith.remsi %div3A_133, %rem3A_134 : i32
      %rem3A_136 = arith.constant 40 : i32
      %rem3A_137 = arith.remsi %add3A_93, %rem3A_136 : i32
      %dma_start3A_138 = arith.constant 0 : i32
      %dma_start3A_139 = arith.constant 0 : i32
      %dma_start3A_140 = arith.constant 0 : i32
      %dma_start3A_141 = tpu.memref_slice %arg11[%rem3A_104, %dma_start3A_139, %dma_start3A_140] : memref<3x64x128xf32, #tpu.memory_space<vmem>> -> memref<1x64x128xf32, #tpu.memory_space<vmem>>
      %dma_start3A_142 = tpu.memref_squeeze %dma_start3A_141 : memref<1x64x128xf32, #tpu.memory_space<vmem>> -> memref<64x128xf32, #tpu.memory_space<vmem>>
      %dma_start3A_143 = arith.constant 0 : i32
      %dma_start3A_144 = tpu.memref_slice %arg9[%rem3A_135, %rem3A_137, %dma_start3A_138, %dma_start3A_143] : memref<2x40x1x64xi32, #tpu.memory_space<vmem>> -> memref<1x1x1x64xi32, #tpu.memory_space<vmem>>
      %dma_start3A_145 = tpu.memref_squeeze %dma_start3A_144 : memref<1x1x1x64xi32, #tpu.memory_space<vmem>> -> memref<64xi32, #tpu.memory_space<vmem>>
      %dma_start3A_146 = arith.constant 0 : i32
      %dma_start3A_147 = arith.constant 0 : i32
      %dma_start3A_148 = tpu.memref_slice %arg7[%dma_start3A_146, %dma_start3A_147] : memref<10240x128xf32, #tpu.memory_space<vmem_shared>> -> memref<10240x128xf32, #tpu.memory_space<vmem_shared>>
      %dma_start3A_149 = tpu.memref_slice %arg13[%rem3A_104] : memref<3x!tpu.dma_semaphore, #tpu.memory_space<semaphore_mem>> -> memref<1x!tpu.dma_semaphore, #tpu.memory_space<semaphore_mem>>
      %dma_start3A_150 = tpu.memref_squeeze %dma_start3A_149 : memref<1x!tpu.dma_semaphore, #tpu.memory_space<semaphore_mem>> -> memref<!tpu.dma_semaphore, #tpu.memory_space<semaphore_mem>>
      tpu.enqueue_indirect_dma source(%dma_start3A_142 : memref<64x128xf32, #tpu.memory_space<vmem>>) target(%dma_start3A_148 : memref<10240x128xf32, #tpu.memory_space<vmem_shared>>) offsets(%dma_start3A_145 : memref<64xi32, #tpu.memory_space<vmem>>) semaphore(%dma_start3A_150 : memref<!tpu.dma_semaphore, #tpu.memory_space<semaphore_mem>>) {add = true}
      %add3A_151 = arith.constant 2 : i32
      %add3A_152 = arith.addi %add3A_93, %add3A_151 : i32
      %rem3A_153 = arith.constant 3 : i32
      %rem3A_154 = arith.remsi %add3A_152, %rem3A_153 : i32
      %ge3A = arith.constant 1 : i32
      %ge3A_155 = arith.cmpi sge, %add3A_93, %ge3A : i32
      %convert_element_type3A_156 = arith.extui %ge3A_155 : i1 to i32
      %cond3A_157 = arith.constant 0 : i32
      %cond3A_158 = arith.cmpi ne, %convert_element_type3A_156, %cond3A_157 : i32
      scf.if %cond3A_158 {
        %dma_wait3A_166 = arith.constant 0 : i32
        %dma_wait3A_167 = arith.constant 0 : i32
        %dma_wait3A_168 = arith.constant 0 : i32
        %dma_wait3A_169 = arith.constant 0 : i32
        %dma_wait3A_170 = arith.constant 0 : i32
        %dma_wait3A_171 = tpu.memref_slice %arg11[%rem3A_154, %dma_wait3A_169, %dma_wait3A_170] : memref<3x64x128xf32, #tpu.memory_space<vmem>> -> memref<1x64x128xf32, #tpu.memory_space<vmem>>
        %dma_wait3A_172 = tpu.memref_squeeze %dma_wait3A_171 : memref<1x64x128xf32, #tpu.memory_space<vmem>> -> memref<64x128xf32, #tpu.memory_space<vmem>>
        %dma_wait3A_173 = arith.constant 0 : i32
        %dma_wait3A_174 = tpu.memref_slice %arg9[%dma_wait3A_166, %dma_wait3A_167, %dma_wait3A_168, %dma_wait3A_173] : memref<2x40x1x64xi32, #tpu.memory_space<vmem>> -> memref<1x1x1x64xi32, #tpu.memory_space<vmem>>
        %dma_wait3A_175 = tpu.memref_squeeze %dma_wait3A_174 : memref<1x1x1x64xi32, #tpu.memory_space<vmem>> -> memref<64xi32, #tpu.memory_space<vmem>>
        %dma_wait3A_176 = arith.constant 0 : i32
        %dma_wait3A_177 = arith.constant 0 : i32
        %dma_wait3A_178 = tpu.memref_slice %arg7[%dma_wait3A_176, %dma_wait3A_177] : memref<10240x128xf32, #tpu.memory_space<vmem_shared>> -> memref<10240x128xf32, #tpu.memory_space<vmem_shared>>
        %dma_wait3A_179 = tpu.memref_slice %arg13[%rem3A_154] : memref<3x!tpu.dma_semaphore, #tpu.memory_space<semaphore_mem>> -> memref<1x!tpu.dma_semaphore, #tpu.memory_space<semaphore_mem>>
        %dma_wait3A_180 = tpu.memref_squeeze %dma_wait3A_179 : memref<1x!tpu.dma_semaphore, #tpu.memory_space<semaphore_mem>> -> memref<!tpu.dma_semaphore, #tpu.memory_space<semaphore_mem>>
        tpu.wait_indirect_dma semaphore(%dma_wait3A_180 : memref<!tpu.dma_semaphore, #tpu.memory_space<semaphore_mem>>) src(%dma_wait3A_172 : memref<64x128xf32, #tpu.memory_space<vmem>>) dst(%dma_wait3A_178 : memref<10240x128xf32, #tpu.memory_space<vmem_shared>>)
      } else {
      }
      %add3A_159 = arith.constant 2 : i32
      %add3A_160 = arith.addi %add3A_93, %add3A_159 : i32
      %lt3A_161 = arith.constant 160 : i32
      %lt3A_162 = arith.cmpi slt, %add3A_160, %lt3A_161 : i32
      %convert_element_type3A_163 = arith.extui %lt3A_162 : i1 to i32
      %cond3A_164 = arith.constant 0 : i32
      %cond3A_165 = arith.cmpi ne, %convert_element_type3A_163, %cond3A_164 : i32
      scf.if %cond3A_165 {
        %add3A_166 = arith.constant 2 : i32
        %add3A_167 = arith.addi %add3A_93, %add3A_166 : i32
        %div3A_168 = arith.constant 40 : i32
        %div3A_169 = arith.divsi %add3A_167, %div3A_168 : i32
        %rem3A_170 = arith.constant 2 : i32
        %rem3A_171 = arith.remsi %div3A_169, %rem3A_170 : i32
        %rem3A_172 = arith.constant 40 : i32
        %rem3A_173 = arith.remsi %add3A_167, %rem3A_172 : i32
        %mul3A_174 = arith.constant 64 : i32
        %mul3A_175 = arith.muli %rem3A_173, %mul3A_174 : i32
        %dma_start3A_176 = arith.constant 0 : i32
        %dma_start3A_177 = arith.constant 0 : i32
        %dma_start3A_178 = tpu.memref_slice %arg11[%rem3A_154, %dma_start3A_176, %dma_start3A_177] : memref<3x64x128xf32, #tpu.memory_space<vmem>> -> memref<1x64x128xf32, #tpu.memory_space<vmem>>
        %dma_start3A_179 = tpu.memref_squeeze %dma_start3A_178 : memref<1x64x128xf32, #tpu.memory_space<vmem>> -> memref<64x128xf32, #tpu.memory_space<vmem>>
        %dma_start3A_180 = tpu.memref_slice %arg8[%rem3A_171, %mul3A_175] : memref<2x2560xi32, #tpu.memory_space<vmem>> -> memref<1x64xi32, #tpu.memory_space<vmem>>
        %dma_start3A_181 = tpu.memref_squeeze %dma_start3A_180 : memref<1x64xi32, #tpu.memory_space<vmem>> -> memref<64xi32, #tpu.memory_space<vmem>>
        %dma_start3A_182 = arith.constant 0 : i32
        %dma_start3A_183 = arith.constant 0 : i32
        %dma_start3A_184 = tpu.memref_slice %arg2[%dma_start3A_182, %dma_start3A_183] : memref<20480x128xf32, #tpu.memory_space<hbm>> -> memref<20480x128xf32, #tpu.memory_space<hbm>>
        %dma_start3A_185 = tpu.memref_slice %arg12[%rem3A_154] : memref<3x!tpu.dma_semaphore, #tpu.memory_space<semaphore_mem>> -> memref<1x!tpu.dma_semaphore, #tpu.memory_space<semaphore_mem>>
        %dma_start3A_186 = tpu.memref_squeeze %dma_start3A_185 : memref<1x!tpu.dma_semaphore, #tpu.memory_space<semaphore_mem>> -> memref<!tpu.dma_semaphore, #tpu.memory_space<semaphore_mem>>
        tpu.enqueue_indirect_dma source(%dma_start3A_184 : memref<20480x128xf32, #tpu.memory_space<hbm>>) target(%dma_start3A_179 : memref<64x128xf32, #tpu.memory_space<vmem>>) offsets(%dma_start3A_181 : memref<64xi32, #tpu.memory_space<vmem>>) semaphore(%dma_start3A_186 : memref<!tpu.dma_semaphore, #tpu.memory_space<semaphore_mem>>)
      } else {
      }
    }
    %scan3A_69 = arith.constant 160 : i32
    %rem3A_70 = arith.constant 159 : i32
    %rem3A_71 = arith.constant 3 : i32
    %rem3A_72 = arith.remsi %rem3A_70, %rem3A_71 : i32
    %dma_wait3A = arith.constant 0 : i32
    %dma_wait3A_73 = arith.constant 0 : i32
    %dma_wait3A_74 = arith.constant 0 : i32
    %dma_wait3A_75 = arith.constant 0 : i32
    %dma_wait3A_76 = arith.constant 0 : i32
    %dma_wait3A_77 = tpu.memref_slice %arg11[%rem3A_72, %dma_wait3A_75, %dma_wait3A_76] : memref<3x64x128xf32, #tpu.memory_space<vmem>> -> memref<1x64x128xf32, #tpu.memory_space<vmem>>
    %dma_wait3A_78 = tpu.memref_squeeze %dma_wait3A_77 : memref<1x64x128xf32, #tpu.memory_space<vmem>> -> memref<64x128xf32, #tpu.memory_space<vmem>>
    %dma_wait3A_79 = arith.constant 0 : i32
    %dma_wait3A_80 = tpu.memref_slice %arg9[%dma_wait3A, %dma_wait3A_73, %dma_wait3A_74, %dma_wait3A_79] : memref<2x40x1x64xi32, #tpu.memory_space<vmem>> -> memref<1x1x1x64xi32, #tpu.memory_space<vmem>>
    %dma_wait3A_81 = tpu.memref_squeeze %dma_wait3A_80 : memref<1x1x1x64xi32, #tpu.memory_space<vmem>> -> memref<64xi32, #tpu.memory_space<vmem>>
    %dma_wait3A_82 = arith.constant 0 : i32
    %dma_wait3A_83 = arith.constant 0 : i32
    %dma_wait3A_84 = tpu.memref_slice %arg7[%dma_wait3A_82, %dma_wait3A_83] : memref<10240x128xf32, #tpu.memory_space<vmem_shared>> -> memref<10240x128xf32, #tpu.memory_space<vmem_shared>>
    %dma_wait3A_85 = tpu.memref_slice %arg13[%rem3A_72] : memref<3x!tpu.dma_semaphore, #tpu.memory_space<semaphore_mem>> -> memref<1x!tpu.dma_semaphore, #tpu.memory_space<semaphore_mem>>
    %dma_wait3A_86 = tpu.memref_squeeze %dma_wait3A_85 : memref<1x!tpu.dma_semaphore, #tpu.memory_space<semaphore_mem>> -> memref<!tpu.dma_semaphore, #tpu.memory_space<semaphore_mem>>
    tpu.wait_indirect_dma semaphore(%dma_wait3A_86 : memref<!tpu.dma_semaphore, #tpu.memory_space<semaphore_mem>>) src(%dma_wait3A_78 : memref<64x128xf32, #tpu.memory_space<vmem>>) dst(%dma_wait3A_84 : memref<10240x128xf32, #tpu.memory_space<vmem_shared>>)
    %barrier3A_87 = arith.constant 0 : index
    tpu.barrier barrier_id(%barrier3A_87)
    %add3A_88 = arith.addi %mul3A_2, %mul3A_0 : i32
    "tpu.region"() ({
      %run_scoped3A = tpu.sem_alloc : memref<!tpu.dma_semaphore, #tpu.memory_space<semaphore_mem>>
      %dma_start3A_89 = arith.constant 0 : i32
      %dma_start3A_90 = tpu.memref_slice %arg6[%add3A_88, %dma_start3A_89] : memref<20480x128xf32, #tpu.memory_space<hbm>> -> memref<640x128xf32, #tpu.memory_space<hbm>>
      %dma_start3A_91 = arith.constant 0 : i32
      %dma_start3A_92 = tpu.memref_slice %arg7[%mul3A_0, %dma_start3A_91] : memref<10240x128xf32, #tpu.memory_space<vmem_shared>> -> memref<640x128xf32, #tpu.memory_space<vmem_shared>>
      tpu.enqueue_dma source(%dma_start3A_92 : memref<640x128xf32, #tpu.memory_space<vmem_shared>>) target(%dma_start3A_90 : memref<640x128xf32, #tpu.memory_space<hbm>>) target_semaphore(%run_scoped3A : memref<!tpu.dma_semaphore, #tpu.memory_space<semaphore_mem>>)
      %dma_wait3A_93 = arith.constant 0 : i32
      %dma_wait3A_94 = tpu.memref_slice %arg6[%add3A_88, %dma_wait3A_93] : memref<20480x128xf32, #tpu.memory_space<hbm>> -> memref<640x128xf32, #tpu.memory_space<hbm>>
      %dma_wait3A_95 = arith.constant 0 : i32
      %dma_wait3A_96 = tpu.memref_slice %arg7[%mul3A_0, %dma_wait3A_95] : memref<10240x128xf32, #tpu.memory_space<vmem_shared>> -> memref<640x128xf32, #tpu.memory_space<vmem_shared>>
      tpu.wait_dma2 semaphore(%run_scoped3A : memref<!tpu.dma_semaphore, #tpu.memory_space<semaphore_mem>>) src(%dma_wait3A_96 : memref<640x128xf32, #tpu.memory_space<vmem_shared>>) dst(%dma_wait3A_94 : memref<640x128xf32, #tpu.memory_space<hbm>>)
      tpu.yield
    }) : () -> ()
    return
  }
}

module attributes {stable_mosaic.version = 14 : i64} {
  func.func @body(%arg0: i32, %arg1: memref<1280x256xf32, #tpu.memory_space<vmem>>, %arg2: memref<256x256xf32, #tpu.memory_space<vmem>>, %arg3: memref<32x1280xf32, #tpu.memory_space<vmem>>, %arg4: memref<2x1280x128xf32, #tpu.memory_space<vmem>>) attributes {dimension_semantics = [#tpu.dimension_semantics<arbitrary>], iteration_bounds = array<i64: 8>, scalar_prefetch = 0 : i64, scratch_operands = 0 : i64, tpu.core_type = #tpu.core_type<tc>, window_params = [{transform_indices = @transform_0, window_bounds = array<i64: 1280, 256>}, {pipeline_mode = #tpu.pipeline_mode<synchronous>, transform_indices = @transform_1, window_bounds = array<i64: 256, 256>}, {transform_indices = @transform_2, window_bounds = array<i64: 32, 1280>}, {transform_indices = @transform_3, window_bounds = array<i64: 2, 1280, 128>}]} {
    %get3A = arith.constant 0 : index
    %get3A_0 = arith.constant 0 : index
    %get3A_1 = vector.load %arg1[%get3A, %get3A_0] : memref<1280x256xf32, #tpu.memory_space<vmem>>, vector<1280x256xf32>
    %get3A_2 = arith.constant 0 : index
    %get3A_3 = arith.constant 0 : index
    %get3A_4 = vector.load %arg2[%get3A_2, %get3A_3] : memref<256x256xf32, #tpu.memory_space<vmem>>, vector<256x256xf32>
    %dot_general3A = arith.constant dense<0.000000e+00> : vector<1280x256xf32>
    %dot_general3A_5 = tpu.matmul %get3A_1, %get3A_4, %dot_general3A {dimension_numbers = #tpu.dot_dimension_numbers<[1], [1], [0], [0], [0, 0, 1, 0], [], []>, transpose_lhs_hint = false} : vector<1280x256xf32>, vector<256x256xf32>, vector<1280x256xf32> -> vector<1280x256xf32>
    %get3A_6 = arith.constant 0 : index
    %get3A_7 = arith.constant 0 : index
    %get3A_8 = vector.load %arg3[%get3A_6, %get3A_7] : memref<32x1280xf32, #tpu.memory_space<vmem>>, vector<32x1280xf32>
    %reduce_sum3A = arith.constant dense<0.000000e+00> : vector<1280xf32>
    %reduce_sum3A_9 = vector.multi_reduction <add>, %get3A_8, %reduce_sum3A [0] : vector<32x1280xf32> to vector<1280xf32>
    %add3A = arith.constant 1.000000e+00 : f32
    %add3A_10 = vector.broadcast %add3A : f32 to vector<1280xf32>
    %add3A_11 = arith.addf %reduce_sum3A_9, %add3A_10 : vector<1280xf32>
    %gt3A = arith.constant 0.000000e+00 : f32
    %gt3A_12 = vector.broadcast %gt3A : f32 to vector<1280xf32>
    %gt3A_13 = arith.cmpf ogt, %add3A_11, %gt3A_12 : vector<1280xf32>
    %max3A = arith.constant 9.99999996E-13 : f32
    %max3A_14 = vector.broadcast %max3A : f32 to vector<1280xf32>
    %max3A_15 = arith.maximumf %add3A_11, %max3A_14 : vector<1280xf32>
    %rsqrt3A = math.rsqrt %max3A_15 : vector<1280xf32>
    %jit3A = arith.constant 0.000000e+00 : f32
    %broadcast_in_dim3A = vector.broadcast %jit3A : f32 to vector<1280xf32>
    %select_n3A = arith.select %gt3A_13, %rsqrt3A, %broadcast_in_dim3A : vector<1280xi1>, vector<1280xf32>
    %broadcast_in_dim3A_16 = vector.shape_cast %select_n3A : vector<1280xf32> to vector<1280x1xf32>
    %mul3A = vector.broadcast %broadcast_in_dim3A_16 : vector<1280x1xf32> to vector<1280x256xf32>
    %mul3A_17 = arith.mulf %dot_general3A_5, %mul3A : vector<1280x256xf32>
    %slice3A = vector.extract_strided_slice %mul3A_17 {offsets = [0, 0], sizes = [1280, 128], strides = [1, 1]} : vector<1280x256xf32> to vector<1280x128xf32>
    %slice3A_18 = vector.extract_strided_slice %mul3A_17 {offsets = [0, 128], sizes = [1280, 128], strides = [1, 1]} : vector<1280x256xf32> to vector<1280x128xf32>
    %stack3A = vector.shape_cast %slice3A : vector<1280x128xf32> to vector<1x1280x128xf32>
    %stack3A_19 = vector.shape_cast %slice3A_18 : vector<1280x128xf32> to vector<1x1280x128xf32>
    %stack3A_20 = tpu.concatenate %stack3A, %stack3A_19 in 0 : vector<1x1280x128xf32>, vector<1x1280x128xf32> -> vector<2x1280x128xf32>
    %swap3A = arith.constant 0 : index
    %swap3A_21 = arith.constant 0 : index
    %swap3A_22 = arith.constant 0 : index
    %swap3A_23 = vector.load %arg4[%swap3A, %swap3A_21, %swap3A_22] : memref<2x1280x128xf32, #tpu.memory_space<vmem>>, vector<2x1280x128xf32>
    tpu.vector_store %arg4[%swap3A, %swap3A_21, %swap3A_22], %stack3A_20 {strides = array<i32>} : memref<2x1280x128xf32, #tpu.memory_space<vmem>>, vector<2x1280x128xf32>,
    return
  }
  func.func @transform_0(%arg0: i32) -> (i32, i32) {
    %c0_i32 = arith.constant 0 : i32
    %c0_i32_0 = arith.constant 0 : i32
    return %arg0, %c0_i32 : i32, i32
  }
  func.func @transform_1(%arg0: i32) -> (i32, i32) {
    %c0_i32 = arith.constant 0 : i32
    %c0_i32_0 = arith.constant 0 : i32
    %c0_i32_1 = arith.constant 0 : i32
    return %c0_i32, %c0_i32_0 : i32, i32
  }
  func.func @transform_2(%arg0: i32) -> (i32, i32) {
    %c0_i32 = arith.constant 0 : i32
    %c0_i32_0 = arith.constant 0 : i32
    return %c0_i32, %arg0 : i32, i32
  }
  func.func @transform_3(%arg0: i32) -> (i32, i32, i32) {
    %c0_i32 = arith.constant 0 : i32
    %c0_i32_0 = arith.constant 0 : i32
    %c0_i32_1 = arith.constant 0 : i32
    return %c0_i32, %arg0, %c0_i32_0 : i32, i32, i32
  }
}

module attributes {stable_mosaic.version = 14 : i64} {
  func.func @body(%arg0: i32, %arg1: memref<2x1024x128xf32, #tpu.memory_space<vmem>>, %arg2: memref<32x1024xf32, #tpu.memory_space<vmem>>, %arg3: memref<1x256xf32, #tpu.memory_space<vmem>>, %arg4: memref<1024x256xf32, #tpu.memory_space<vmem>>) attributes {dimension_semantics = [#tpu.dimension_semantics<arbitrary>], iteration_bounds = array<i64: 10>, scalar_prefetch = 0 : i64, scratch_operands = 0 : i64, tpu.core_type = #tpu.core_type<tc>, window_params = [{transform_indices = @transform_0, window_bounds = array<i64: 2, 1024, 128>}, {transform_indices = @transform_1, window_bounds = array<i64: 32, 1024>}, {pipeline_mode = #tpu.pipeline_mode<synchronous>, transform_indices = @transform_2, window_bounds = array<i64: 1, 256>}, {transform_indices = @transform_3, window_bounds = array<i64: 1024, 256>}]} {
    %get3A = arith.constant 0 : index
    %get3A_0 = arith.constant 0 : index
    %get3A_1 = vector.load %arg2[%get3A, %get3A_0] : memref<32x1024xf32, #tpu.memory_space<vmem>>, vector<32x1024xf32>
    %reduce_sum3A = arith.constant dense<0.000000e+00> : vector<1024xf32>
    %reduce_sum3A_2 = vector.multi_reduction <add>, %get3A_1, %reduce_sum3A [0] : vector<32x1024xf32> to vector<1024xf32>
    %add3A = arith.constant 1.000000e+00 : f32
    %add3A_3 = vector.broadcast %add3A : f32 to vector<1024xf32>
    %add3A_4 = arith.addf %reduce_sum3A_2, %add3A_3 : vector<1024xf32>
    %gt3A = arith.constant 0.000000e+00 : f32
    %gt3A_5 = vector.broadcast %gt3A : f32 to vector<1024xf32>
    %gt3A_6 = arith.cmpf ogt, %add3A_4, %gt3A_5 : vector<1024xf32>
    %max3A = arith.constant 9.99999996E-13 : f32
    %max3A_7 = vector.broadcast %max3A : f32 to vector<1024xf32>
    %max3A_8 = arith.maximumf %add3A_4, %max3A_7 : vector<1024xf32>
    %rsqrt3A = math.rsqrt %max3A_8 : vector<1024xf32>
    %jit3A = arith.constant 0.000000e+00 : f32
    %broadcast_in_dim3A = vector.broadcast %jit3A : f32 to vector<1024xf32>
    %select_n3A = arith.select %gt3A_6, %rsqrt3A, %broadcast_in_dim3A : vector<1024xi1>, vector<1024xf32>
    %get3A_9 = arith.constant 0 : index
    %get3A_10 = arith.constant 0 : index
    %get3A_11 = arith.constant 0 : index
    %get3A_12 = vector.load %arg1[%get3A_9, %get3A_10, %get3A_11] : memref<2x1024x128xf32, #tpu.memory_space<vmem>>, vector<1x1024x128xf32>
    %get3A_13 = vector.shape_cast %get3A_12 : vector<1x1024x128xf32> to vector<1024x128xf32>
    %get3A_14 = arith.constant 1 : index
    %get3A_15 = arith.constant 0 : index
    %get3A_16 = arith.constant 0 : index
    %get3A_17 = vector.load %arg1[%get3A_14, %get3A_15, %get3A_16] : memref<2x1024x128xf32, #tpu.memory_space<vmem>>, vector<1x1024x128xf32>
    %get3A_18 = vector.shape_cast %get3A_17 : vector<1x1024x128xf32> to vector<1024x128xf32>
    %concatenate3A = tpu.concatenate %get3A_13, %get3A_18 in 1 : vector<1024x128xf32>, vector<1024x128xf32> -> vector<1024x256xf32>
    %broadcast_in_dim3A_19 = vector.shape_cast %select_n3A : vector<1024xf32> to vector<1024x1xf32>
    %mul3A = vector.broadcast %broadcast_in_dim3A_19 : vector<1024x1xf32> to vector<1024x256xf32>
    %mul3A_20 = arith.mulf %concatenate3A, %mul3A : vector<1024x256xf32>
    %get3A_21 = arith.constant 0 : index
    %get3A_22 = arith.constant 0 : index
    %get3A_23 = vector.load %arg3[%get3A_21, %get3A_22] : memref<1x256xf32, #tpu.memory_space<vmem>>, vector<1x256xf32>
    %add3A_24 = vector.broadcast %get3A_23 : vector<1x256xf32> to vector<1024x256xf32>
    %add3A_25 = arith.addf %mul3A_20, %add3A_24 : vector<1024x256xf32>
    %swap3A = arith.constant 0 : index
    %swap3A_26 = arith.constant 0 : index
    %swap3A_27 = vector.load %arg4[%swap3A, %swap3A_26] : memref<1024x256xf32, #tpu.memory_space<vmem>>, vector<1024x256xf32>
    tpu.vector_store %arg4[%swap3A, %swap3A_26], %add3A_25 {strides = array<i32>} : memref<1024x256xf32, #tpu.memory_space<vmem>>, vector<1024x256xf32>,
    return
  }
  func.func @transform_0(%arg0: i32) -> (i32, i32, i32) {
    %c0_i32 = arith.constant 0 : i32
    %c0_i32_0 = arith.constant 0 : i32
    %c0_i32_1 = arith.constant 0 : i32
    return %c0_i32, %arg0, %c0_i32_0 : i32, i32, i32
  }
  func.func @transform_1(%arg0: i32) -> (i32, i32) {
    %c0_i32 = arith.constant 0 : i32
    %c0_i32_0 = arith.constant 0 : i32
    return %c0_i32, %arg0 : i32, i32
  }
  func.func @transform_2(%arg0: i32) -> (i32, i32) {
    %c0_i32 = arith.constant 0 : i32
    %c0_i32_0 = arith.constant 0 : i32
    %c0_i32_1 = arith.constant 0 : i32
    return %c0_i32, %c0_i32_0 : i32, i32
  }
  func.func @transform_3(%arg0: i32) -> (i32, i32) {
    %c0_i32 = arith.constant 0 : i32
    %c0_i32_0 = arith.constant 0 : i32
    return %arg0, %c0_i32 : i32, i32
  }
}

</mosaic_0001>

<sc_bundles>
// kernel: kernel.6.cloned.1.call-start
scs
__scs_entry_jumppad:
0x0: {  	(pc) =	sbr.rel $0x88, $3  }
0x1: {  	(tag) =	ssettag $0x0;
	lr =	simm.s32 $0x1  }
0x2: {  	[smem:$0x3F9C] =	sst lr;
	_ =	strace $0xD0000000  }
0x3: {  	_ = 	snop  }
0x4: {  	_ = 	snop  }
0x5: {  	_ = 	snop  }
0x6: {  	_ = 	snop  }
0x7: {  	_ = 	snop  }
__scs_overlays_trampoline_lowered:
0x8: {  	[smem:$0x3FAB] =	sst s0  }
0x9: {  	[smem:$0x3FAC] =	sst s1  }
0xa: {  	[smem:$0x3FAD] =	sst s2  }
0xb: {  	[smem:$0x3FAE] =	sst s3  }
0xc: {  	[smem:$0x3FAF] =	sst s4  }
0xd: {  	[smem:$0x3FB0] =	sst s5  }
0xe: {  	[smem:$0x3FB1] =	sst s6  }
0xf: {  	[smem:$0x3FB2] =	sst s7  }
0x10: {  	[smem:$0x3FB3] =	sst s8  }
0x11: {  	[smem:$0x3FB4] =	sst s9;
	s0 =	simm.s32 @!p0 $0x0  }
0x12: {  	s1 =	sld [smem:$0x3F9A];
	s0 =	simm.s32 @p0 $0x1  }
0x13: {  	[smem:$0x3FB5] =	sst s0;
	s0 =	simm.s32 @!p1 $0x0  }
0x14: {  	s2 =	sld [smem:$0x3F99];
	s0 =	simm.s32 @p1 $0x1  }
0x15: {  	[smem:$0x3FB6] =	sst s0;
	s0 =	simm.s32 @!p2 $0x0  }
0x16: {  	s3 =	sld [smem:$0x3FDB];
	s0 =	simm.s32 @p2 $0x1  }
0x17: {  	s4 =	simm.s32 $0x1BF5;
	[smem:$0x3FB8] =	sst s0  }
0x18: {  	s0 =	sld [smem:$0x3F9B];
	_ =	swait.ge [sflag:s4], $0x0  }
0x19: {  	s7 =	sld [smem:$0x3F9C]  }
0x1a: {  	s8 =	sadd.s32 $0xFFFFE003, lr  }
0x1b: {  	s9 =	sadd.s32 $0xFFFFFEF7, lr;
	s5 =	simm.s32 $0xFFFFFFFF;
	p2 =	slt.u32 s8, $0xFFFFF086  }
0x1c: {  	p1 =	slt.u32 s9, $0xF7A;
	s5 =	simm.s32 @!p2 $0x0  }
0x1d: {  	s5 =	simm.s32 @p1 $0x1;
	p0 =	seq.s32 s7, s2  }
0x1e: {  	s7 =	smul.u32 @!p0 $0xF7A, s2;
	p2 =	seq.s32 @!p0 s5, $0x0  }
0x1f: {  	s9 =	smul.u32 $0xF7A, s1;
	s8 =	simm.s32 @!p0 $0x1BF5;
	p2 =	por !p2, p0  }
0x20: {  	[sflag:s8] =	ssyncset.s32 @!p0 $0xFFFFF086;
	s6 =	sadd.s32 @!p0 s3, s7;
	s7 =	simm.s32 @!p0 $0x108  }
0x21: {  	s3 =	sadd.s32 s3, s9;
	s6 =	sadd.s32 @!p0 $0x88, s6;
	s7 =	simm.s32 @p2 $0x1082  }
0x22: {  	[simem:s7], [sflag:s8] =	dma.local @!p0 [hbm:s6], $0xF7A  }
0x23: {  	s9 =	sor.u32 $0xD0000000, s2;
	s6 =	simm.s32 $0x108;
	_ =	swait.ge @!p0 [sflag:s8], $0x0  }
0x24: {  	s3 =	sadd.s32 $0x88, s3;
	s6 =	simm.s32 @!p1 $0x1082;
	[sflag:s4] =	ssyncset.s32 $0xFFFFF086  }
0x25: {  	[simem:s6], [sflag:s4] =	dma.local [hbm:s3], $0xF7A  }
0x26: {  	[smem:$0x3F9C] =	sst s1;
	(tag) =	ssettag s2;
	_ =	strace s9  }
0x27: {  	s1 =	sld [smem:$0x3FAC]  }
0x28: {  	s2 =	sld [smem:$0x3FAD]  }
0x29: {  	s4 =	sld [smem:$0x3FAF]  }
0x2a: {  	p0 =	seq.s32 s5, $0x0;
	s5 =	sld [smem:$0x3FB0]  }
0x2b: {  	s6 =	sld [smem:$0x3FB1]  }
0x2c: {  	s7 =	sld [smem:$0x3FB2]  }
0x2d: {  	s3 =	simm.s32 $0x108;
	s8 =	sld [smem:$0x3FB3]  }
0x2e: {  	s3 =	simm.s32 @!p0 $0x1082;
	s9 =	sld [smem:$0x3FB4]  }
0x2f: {  	lr =	sadd.s32 s0, s3;
	s0 =	sld [smem:$0x3FAB]  }
0x30: {  	s3 =	sld [smem:$0x3FAE]  }
0x31: {  	[smem:$0x3FB7] =	sst s10  }
0x32: {  	s10 =	sld [smem:$0x3FB5];
	_ =	sdelay $0x3  }
0x33: {  	p0 =	seq.s32 s10, $0x1;
	s10 =	sld [smem:$0x3FB7];
	_ =	sdelay $0x3  }
0x34: {  	[smem:$0x3FB7] =	sst s10  }
0x35: {  	s10 =	sld [smem:$0x3FB6];
	_ =	sdelay $0x3  }
0x36: {  	p1 =	seq.s32 s10, $0x1;
	s10 =	sld [smem:$0x3FB7];
	_ =	sdelay $0x3  }
0x37: {  	[smem:$0x3FB7] =	sst s10  }
0x38: {  	s10 =	sld [smem:$0x3FB8]  }
0x39: {  	_ = 	snop;
	(pc) =	sbr.ind lr, $3  }
0x3a: {  	_ = 	snop  }
0x3b: {  	_ = 	snop  }
0x3c: {  	p2 =	seq.s32 s10, $0x1;
	s10 =	sld [smem:$0x3FB7]  }
0x3d: {  	_ =	shalt  }
0x3e: {  	_ =	shalt  }
0x3f: {  	_ =	shalt  }
0x40: {  	_ =	shalt  }
0x41: {  	_ =	shalt  }
0x42: {  	_ =	shalt  }
0x43: {  	_ =	shalt  }
0x44: {  	_ =	shalt  }
0x45: {  	_ =	shalt  }
0x46: {  	_ =	shalt  }
0x47: {  	_ =	shalt  }
0x48: {  	_ =	shalt  }
0x49: {  	_ =	shalt  }
0x4a: {  	_ =	shalt  }
0x4b: {  	_ =	shalt  }
0x4c: {  	_ =	shalt  }
0x4d: {  	_ =	shalt  }
0x4e: {  	_ =	shalt  }
0x4f: {  	_ =	shalt  }
0x50: {  	_ =	shalt  }
0x51: {  	_ =	shalt  }
0x52: {  	_ =	shalt  }
0x53: {  	_ =	shalt  }
0x54: {  	_ =	shalt  }
0x55: {  	_ =	shalt  }
0x56: {  	_ =	shalt  }
0x57: {  	_ =	shalt  }
0x58: {  	_ =	shalt  }
0x59: {  	_ =	shalt  }
0x5a: {  	_ =	shalt  }
0x5b: {  	_ =	shalt  }
0x5c: {  	_ =	shalt  }
0x5d: {  	_ =	shalt  }
0x5e: {  	_ =	shalt  }
0x5f: {  	_ =	shalt  }
0x60: {  	_ =	shalt  }
0x61: {  	_ =	shalt  }
0x62: {  	_ =	shalt  }
0x63: {  	_ =	shalt  }
0x64: {  	_ =	shalt  }
0x65: {  	_ =	shalt  }
0x66: {  	_ =	shalt  }
0x67: {  	_ =	shalt  }
0x68: {  	_ =	shalt  }
0x69: {  	_ =	shalt  }
0x6a: {  	_ =	shalt  }
0x6b: {  	_ =	shalt  }
0x6c: {  	_ =	shalt  }
0x6d: {  	_ =	shalt  }
0x6e: {  	_ =	shalt  }
0x6f: {  	_ =	shalt  }
0x70: {  	_ =	shalt  }
0x71: {  	_ =	shalt  }
0x72: {  	_ =	shalt  }
0x73: {  	_ =	shalt  }
0x74: {  	_ =	shalt  }
0x75: {  	_ =	shalt  }
0x76: {  	_ =	shalt  }
0x77: {  	_ =	shalt  }
0x78: {  	_ =	shalt  }
0x79: {  	_ =	shalt  }
0x7a: {  	_ =	shalt  }
0x7b: {  	_ =	shalt  }
0x7c: {  	_ =	shalt  }
0x7d: {  	_ =	shalt  }
0x7e: {  	_ =	shalt  }
0x7f: {  	_ =	shalt  }
0x80: {  	_ =	shalt  }
0x81: {  	_ =	shalt  }
0x82: {  	_ =	shalt  }
0x83: {  	_ =	shalt  }
0x84: {  	_ =	shalt  }
0x85: {  	_ =	shalt  }
0x86: {  	_ =	shalt  }
0x87: {  	_ =	shalt  }
.Lfunc_end0:
.L_simem_size_0:
called_computation_lowered:
.L_overlay_start_0:
0x88: {  	s2 =	sld [smem:$0x3FD9]  }
0x89: {  	s3 =	sld [smem:$0x3FFE];
	_ =	sdelay $0x1  }
0x8a: {  	s1 =	srdreg.scid  }
0x8b: {  	s0 =	sand.u32 $0x1, s1  }
0x8c: {  	s16 =	sshll.u32 s0, $0xA;
	s2 =	sadd.s32 s3, s2  }
0x8d: {  	s2 =	sadd.s32 s2, s16  }
0x8e: {  	[smem:$0x3FC3] =	sst s2  }
0x8f: {  	_ = 	snop  }
0x90: {  	(tm) =	ssettm $0x1  }
0x91: {  	s17 =	sld [smem:$0x3FFB];
	_ =	sdelay $0x3  }
0x92: {  	_ =	strace s17  }
0x93: {  	s2 =	sld [smem:$0x3FFC];
	_ =	sdelay $0x3  }
0x94: {  	_ =	strace s2  }
0x95: {  	s2 =	sld [smem:$0x3FFD];
	_ =	sdelay $0x3  }
0x96: {  	_ =	strace s2  }
0x97: {  	_ =	strace $0x8FFFFFFF  }
0x98: {  	s18 =	sld [smem:$0x3FDB];
	_ =	sdelay $0x1  }
0x99: {  	s19 =	simm.s32 $_scs_section_size  }
0x9a: {  	s4 =	simm.s32 $_size__tile_overlayer_lowered;
	s5 =	simm.s32 $_tile_overlayer_lowered  }
0x9b: {  	s22 =	simm.s32 $0x1BFF;
	s21 =	sshll.u32 s5, $0x1;
	s2 =	sadd.s32 s19, s18  }
0x9c: {  	s6 =	simm.s32 $0x0;
	s20 =	sshll.u32 s4, $0x1;
	s4 =	sadd.s32 s21, s2  }
0x9d: {  	[timem:s6], [sflag:s22] =	dma.local [hbm:s4], s20  }
0x9e: {  	_ =	swait.ge [sflag:s22], s20  }
0x9f: {  	s3 =	ssub.s32 $0x0, s20;
	[sflag:s22] =	ssyncset.done $0x0  }
0xa0: {  	[sflag:s22] =	ssyncadd.s32 s3;
	_ =	sdelay $0x1  }
0xa1: {  	s23 =	simm.s32 $0x1B8B  }
0xa2: {  	_ =	swait.ge [sflag:s23], $0x1  }
0xa3: {  	[sflag:s23] =	ssyncset.done $0x0  }
0xa4: {  	s25 =	simm.s32 $0x1B8E;
	s24 =	sld [smem:$0x3FFE];
	[sflag:s23] =	ssyncadd.s32 $0xFFFFFFFF  }
0xa5: {  	s26 =	simm.s32 $execute0_lowered;
	[smem:$0x3FD2] =	sst s25  }
0xa6: {  	s4 =	sshll.u32 s26, $0x1;
	_ =	strace $0x80000046;
	[dreg:$0x1] =	wrdreg $0xFFFFFFFF  }
0xa7: {  	s28 =	simm.s32 $_size_execute0_lowered;
	s2 =	sadd.s32 s2, s4;
	[dreg:$0x0] =	wrdreg $0x0  }
0xa8: {  	s4 =	sshll.u32 s28, $0x1;
	[dreg:$0x2] =	wrdreg s2  }
0xa9: {  	[dreg:$0x3] =	wrdreg s4  }
0xaa: {  	[dreg:$0x4] =	wrdreg $0xC0  }
0xab: {  	_ =	task [dreg:s6], $0x5FFFF  }
0xac: {  	[dreg:$0x1] =	wrdreg $0xFFFFFFFF  }
0xad: {  	[dreg:$0x0] =	wrdreg $0x60  }
0xae: {  	[dreg:$0x2] =	wrdreg s24  }
0xaf: {  	[dreg:$0x3] =	wrdreg $0x9  }
0xb0: {  	_ =	task.clear_ibuf [dreg:s6], $0x4FFFF;
	_ =	strace $0x90000046  }
0xb1: {  	s29 =	simm.s32 $0x9;
	_ =	strace $0x80000048  }
0xb2: {  	_ =	swait.ge [sflag:s29], $0x1  }
0xb3: {  	[sflag:s29] =	ssyncadd.s32 $0xFFFFFFFF  }
0xb4: {  	_ =	strace $0x90000048  }
0xb5: {  	_ =	sfence  }
0xb6: {  	s30 =	sld [smem:$0x0];
	_ =	sdelay $0x2  }
0xb7: {  	s31 =	sshll.u32 s1, $0xD;
	s1 =	sshrl.u32 s1, $0x2  }
0xb8: {  	s3 =	sand.u32 $0x4000, s31;
	s1 =	sadd.s32 s1, s30  }
0xb9: {  	s0 =	sor.u32 s3, s0;
	s1 =	sshll.u32 s1, $0x11  }
0xba: {  	s0 =	sor.u32 s1, s0  }
0xbb: {  	s0 =	sadd.s32 $0x8F2B, s0  }
0xbc: {  	[sflag:s0] =	ssyncadd.remote.s32 $0x1  }
0xbd: {  	_ =	sfence.sel $0xFFFF  }
0xbe: {  	[dreg:$0x0] =	wrdreg $0xFFFFFFFF;
	(pc) =	sbr.abs _section_cstart, $3  }
0xbf: {  	[dreg:$0x1] =	wrdreg $0xFFFFFFFF  }
0xc0: {  	_ =	task.clear_ibuf [dreg:s6], $0x2FFFF;
	_ =	strace $0x9FFFFFFF  }
0xc1: {  	(tm) =	ssettm $0x7FFFFFFF  }
tec
execute0_lowered:
.L_overlay_start_1:
0x0: {  	(tag) =	ssettag $0x1  }
0x1: {  	s0 =	srdreg.scid  }
0x2: {  	s4 =	rddreg [dreg:$0x0];
	s2 =	simm.s32 $0x0;
	s3 =	sand.u32 $0x1, s0  }
0x3: {  	s8 =	simm.s32 $0x1;
	s0 =	stileid.u32;
	s1 =	sshll.u32 s3, $0x4  }
0x4: {  	s9 =	simm.s32 $0x3C00;
	s10 =	simm.s32 $0x0;
	s5 =	sor.u32 s0, s1  }
0x5: {  	[smem:$0x7FF] =	sst s2;
	s3 =	ssub.s32 $0x2, s3;
	s6 =	smul.u32 $0x280, s5  }
0x6: {  	s1 =	rddreg [dreg:$0x1];
	s31 =	sshrl.u32 s3, $0x1;
	s5 =	smul.u32 $0x500, s5  }
0x7: {  	_ =	strace $0x80000047;
	s7 =	ssub.s32 s3, s31;
	s6 =	sadd.s32 s6, s4  }
0x8: {  	s5 =	sadd.s32 s5, s4;
	s3 =	sadd.s32 $0x5C00, s6;
	s4 =	sadd.s32 $0xC00, s6  }
0x9: {  	v0 =	vimm.f32 $0.0e+00;
	s5 =	sadd.s32 $0xFC00, s5;
	s6 =	smax.u32 s7, $0x1;
	s7 =	simm.s32 $0x2800  }
.LBB2_1:
0xa: {  	[tilespmem:s7], [sflag:$0x1] =	stream.linear.gather [hbm4b:s3+s2], $0x1400, $0x38;
	[tilespmem:$0x5000] =	vst v63  }
0xb: {  	_ =	swait.ge [sflag:s8], $0x1400  }
0xc: {  	[sflag:s8] =	ssyncset.done $0x0  }
0xd: {  	[sflag:s8] =	ssyncadd.s32 $0xFFFFEC00  }
0xe: {  	[tilespmem:s9], [sflag:$0x1] =	stream.linear.gather [hbm4b:s4+s2], $0x1400, $0x38;
	[tilespmem:$0x5000] =	vst v63  }
0xf: {  	_ =	swait.ge [sflag:s8], $0x1400  }
0x10: {  	[sflag:s8] =	ssyncset.done $0x0  }
0x11: {  	s11 =	simm.s32 $0x0;
	[sflag:s8] =	ssyncadd.s32 $0xFFFFEC00  }
.LBB2_2:
0x12: {  	p0 =	sne.s32 s11, $0x9FC0  }
.Ltmp0:
0x13: {  	_ = 	snop;
	(pc) =	sbr.rel @p0 .LBB2_2-.Ltmp0, $3  }
0x14: {  	_ =	sdelay $0x1  }
0x15: {  	s12 =	sshra.s32 s11, $0x2  }
0x16: {  	s11 =	sadd.s32 $0x40, s11;
	[tilespmem:s12+$0x0] =	vst v0  }
0x17: {  	s12 =	simm.s32 $0x0;
	s11 =	simm.s32 $0x40  }
.LBB2_4:
0x18: {  	p0 =	sne.s32 s11, $0x4FC0;
	v1 =	vld [tilespmem:s12+$0x2800];
	_ =	sdelay $0x2  }
0x19: {  	v2 =	vld [tilespmem:s12+$0x3C00]  }
.Ltmp1:
0x1a: {  	(pc) =	sbr.rel @p0 .LBB2_4-.Ltmp1, $2  }
0x1b: {  	_ =	sdelay $0x2  }
0x1c: {  	s12 =	sshra.s32 s11, $0x2;
	s11 =	sadd.s32 $0x40, s11;
	[tilespmem:v1+s2+$0x0] =	vst.idx.add.f32.msk $0xffff, v2  }
0x1d: {  	v1 =	vld [tilespmem:s12+$0x2800];
	_ =	sdelay $0x2  }
0x1e: {  	v2 =	vld [tilespmem:s12+$0x3C00];
	_ =	sdelay $0x2  }
0x1f: {  	s10 =	sadd.s32 $0x1, s10  }
0x20: {  	p0 =	sne.s32 s10, s6  }
.Ltmp2:
0x21: {  	[tilespmem:v1+s2+$0x0] =	vst.idx.add.f32.msk $0xffff, v2;
	(pc) =	sbr.rel @p0 .LBB2_1-.Ltmp2, $4  }
0x22: {  	[hbm4b:s5+s2] =	stream.linear.scatter [tilespmem:s2], [sflag:$0x1], $0x2800, $0x38;
	[tilespmem:$0x5000] =	vst v63  }
0x23: {  	_ =	swait.ge [sflag:s8], $0x2800  }
0x24: {  	[sflag:s8] =	ssyncset.done $0x0  }
0x25: {  	[sflag:s8] =	ssyncadd.s32 $0xFFFFD800  }
0x26: {  	_ =	sfence.sel $0x180000  }
0x27: {  	[bflag:$0x0] =	sbarrier.arrive $0xFFFF  }
0x28: {  	p0 =	sne.s32 s0, $0x0;
	_ =	strace $0x90000047  }
0x29: {  	s0 =	sadd.s32 @!p0 $0x100000, s1;
	[bflag:$0x2] =	sbarrier.arrive $0xFFFF  }
0x2a: {  	[sflag:s0] =	ssyncadd.tile.s32 @!p0 $0x1;
	_ =	shalt  }
.Lfunc_end2:
_tile_overlayer_lowered:
.L_overlay_start_2:
0x2b: {  	(tag) =	ssettag $0x2  }
0x2c: {  	s0 =	rddreg [dreg:$0x0];
	s2 =	stileid.u32  }
0x2d: {  	s1 =	rddreg [dreg:$0x1];
	p0 =	sne.s32 s2, $0x0  }
0x2e: {  	s3 =	rddreg [dreg:$0x2];
	[bflag:$0x3] =	sbarrier.arrive $0xFFFF;
	s2 =	simm.s32 @!p0 $0x1C01  }
0x2f: {  	[timem:s3], [sflag:s2] =	dma.local @!p0 [hbm:s0], s1  }
0x30: {  	s0 =	simm.s32 @!p0 $0x1  }
0x31: {  	_ =	swait.ge @!p0 [sflag:s0], s1  }
0x32: {  	s1 =	ssub.s32 @!p0 $0x0, s1;
	[sflag:s0] =	ssyncset.done @!p0 $0x0  }
0x33: {  	[sflag:s0] =	ssyncadd.s32 @!p0 s1  }
0x34: {  	[bflag:$0x3] =	sbarrier.arrive $0xFFFF  }
0x35: {  	_ =	shalt  }

// kernel: kernel.9.cloned.1.call-start
scs
__scs_entry_jumppad:
0x0: {  	(pc) =	sbr.rel $0x88, $3  }
0x1: {  	(tag) =	ssettag $0x0;
	lr =	simm.s32 $0x1  }
0x2: {  	[smem:$0x3F9C] =	sst lr;
	_ =	strace $0xD0000000  }
0x3: {  	_ = 	snop  }
0x4: {  	_ = 	snop  }
0x5: {  	_ = 	snop  }
0x6: {  	_ = 	snop  }
0x7: {  	_ = 	snop  }
__scs_overlays_trampoline_lowered:
0x8: {  	[smem:$0x3FAB] =	sst s0  }
0x9: {  	[smem:$0x3FAC] =	sst s1  }
0xa: {  	[smem:$0x3FAD] =	sst s2  }
0xb: {  	[smem:$0x3FAE] =	sst s3  }
0xc: {  	[smem:$0x3FAF] =	sst s4  }
0xd: {  	[smem:$0x3FB0] =	sst s5  }
0xe: {  	[smem:$0x3FB1] =	sst s6  }
0xf: {  	[smem:$0x3FB2] =	sst s7  }
0x10: {  	[smem:$0x3FB3] =	sst s8  }
0x11: {  	[smem:$0x3FB4] =	sst s9;
	s0 =	simm.s32 @!p0 $0x0  }
0x12: {  	s1 =	sld [smem:$0x3F9A];
	s0 =	simm.s32 @p0 $0x1  }
0x13: {  	[smem:$0x3FB5] =	sst s0;
	s0 =	simm.s32 @!p1 $0x0  }
0x14: {  	s2 =	sld [smem:$0x3F99];
	s0 =	simm.s32 @p1 $0x1  }
0x15: {  	[smem:$0x3FB6] =	sst s0;
	s0 =	simm.s32 @!p2 $0x0  }
0x16: {  	s3 =	sld [smem:$0x3FDB];
	s0 =	simm.s32 @p2 $0x1  }
0x17: {  	s4 =	simm.s32 $0x1BF5;
	[smem:$0x3FB8] =	sst s0  }
0x18: {  	s0 =	sld [smem:$0x3F9B];
	_ =	swait.ge [sflag:s4], $0x0  }
0x19: {  	s7 =	sld [smem:$0x3F9C]  }
0x1a: {  	s8 =	sadd.s32 $0xFFFFE003, lr  }
0x1b: {  	s9 =	sadd.s32 $0xFFFFFEF7, lr;
	s5 =	simm.s32 $0xFFFFFFFF;
	p2 =	slt.u32 s8, $0xFFFFF086  }
0x1c: {  	p1 =	slt.u32 s9, $0xF7A;
	s5 =	simm.s32 @!p2 $0x0  }
0x1d: {  	s5 =	simm.s32 @p1 $0x1;
	p0 =	seq.s32 s7, s2  }
0x1e: {  	s7 =	smul.u32 @!p0 $0xF7A, s2;
	p2 =	seq.s32 @!p0 s5, $0x0  }
0x1f: {  	s9 =	smul.u32 $0xF7A, s1;
	s8 =	simm.s32 @!p0 $0x1BF5;
	p2 =	por !p2, p0  }
0x20: {  	[sflag:s8] =	ssyncset.s32 @!p0 $0xFFFFF086;
	s6 =	sadd.s32 @!p0 s3, s7;
	s7 =	simm.s32 @!p0 $0x108  }
0x21: {  	s3 =	sadd.s32 s3, s9;
	s6 =	sadd.s32 @!p0 $0x88, s6;
	s7 =	simm.s32 @p2 $0x1082  }
0x22: {  	[simem:s7], [sflag:s8] =	dma.local @!p0 [hbm:s6], $0xF7A  }
0x23: {  	s9 =	sor.u32 $0xD0000000, s2;
	s6 =	simm.s32 $0x108;
	_ =	swait.ge @!p0 [sflag:s8], $0x0  }
0x24: {  	s3 =	sadd.s32 $0x88, s3;
	s6 =	simm.s32 @!p1 $0x1082;
	[sflag:s4] =	ssyncset.s32 $0xFFFFF086  }
0x25: {  	[simem:s6], [sflag:s4] =	dma.local [hbm:s3], $0xF7A  }
0x26: {  	[smem:$0x3F9C] =	sst s1;
	(tag) =	ssettag s2;
	_ =	strace s9  }
0x27: {  	s1 =	sld [smem:$0x3FAC]  }
0x28: {  	s2 =	sld [smem:$0x3FAD]  }
0x29: {  	s4 =	sld [smem:$0x3FAF]  }
0x2a: {  	p0 =	seq.s32 s5, $0x0;
	s5 =	sld [smem:$0x3FB0]  }
0x2b: {  	s6 =	sld [smem:$0x3FB1]  }
0x2c: {  	s7 =	sld [smem:$0x3FB2]  }
0x2d: {  	s3 =	simm.s32 $0x108;
	s8 =	sld [smem:$0x3FB3]  }
0x2e: {  	s3 =	simm.s32 @!p0 $0x1082;
	s9 =	sld [smem:$0x3FB4]  }
0x2f: {  	lr =	sadd.s32 s0, s3;
	s0 =	sld [smem:$0x3FAB]  }
0x30: {  	s3 =	sld [smem:$0x3FAE]  }
0x31: {  	[smem:$0x3FB7] =	sst s10  }
0x32: {  	s10 =	sld [smem:$0x3FB5];
	_ =	sdelay $0x3  }
0x33: {  	p0 =	seq.s32 s10, $0x1;
	s10 =	sld [smem:$0x3FB7];
	_ =	sdelay $0x3  }
0x34: {  	[smem:$0x3FB7] =	sst s10  }
0x35: {  	s10 =	sld [smem:$0x3FB6];
	_ =	sdelay $0x3  }
0x36: {  	p1 =	seq.s32 s10, $0x1;
	s10 =	sld [smem:$0x3FB7];
	_ =	sdelay $0x3  }
0x37: {  	[smem:$0x3FB7] =	sst s10  }
0x38: {  	s10 =	sld [smem:$0x3FB8]  }
0x39: {  	_ = 	snop;
	(pc) =	sbr.ind lr, $3  }
0x3a: {  	_ = 	snop  }
0x3b: {  	_ = 	snop  }
0x3c: {  	p2 =	seq.s32 s10, $0x1;
	s10 =	sld [smem:$0x3FB7]  }
0x3d: {  	_ =	shalt  }
0x3e: {  	_ =	shalt  }
0x3f: {  	_ =	shalt  }
0x40: {  	_ =	shalt  }
0x41: {  	_ =	shalt  }
0x42: {  	_ =	shalt  }
0x43: {  	_ =	shalt  }
0x44: {  	_ =	shalt  }
0x45: {  	_ =	shalt  }
0x46: {  	_ =	shalt  }
0x47: {  	_ =	shalt  }
0x48: {  	_ =	shalt  }
0x49: {  	_ =	shalt  }
0x4a: {  	_ =	shalt  }
0x4b: {  	_ =	shalt  }
0x4c: {  	_ =	shalt  }
0x4d: {  	_ =	shalt  }
0x4e: {  	_ =	shalt  }
0x4f: {  	_ =	shalt  }
0x50: {  	_ =	shalt  }
0x51: {  	_ =	shalt  }
0x52: {  	_ =	shalt  }
0x53: {  	_ =	shalt  }
0x54: {  	_ =	shalt  }
0x55: {  	_ =	shalt  }
0x56: {  	_ =	shalt  }
0x57: {  	_ =	shalt  }
0x58: {  	_ =	shalt  }
0x59: {  	_ =	shalt  }
0x5a: {  	_ =	shalt  }
0x5b: {  	_ =	shalt  }
0x5c: {  	_ =	shalt  }
0x5d: {  	_ =	shalt  }
0x5e: {  	_ =	shalt  }
0x5f: {  	_ =	shalt  }
0x60: {  	_ =	shalt  }
0x61: {  	_ =	shalt  }
0x62: {  	_ =	shalt  }
0x63: {  	_ =	shalt  }
0x64: {  	_ =	shalt  }
0x65: {  	_ =	shalt  }
0x66: {  	_ =	shalt  }
0x67: {  	_ =	shalt  }
0x68: {  	_ =	shalt  }
0x69: {  	_ =	shalt  }
0x6a: {  	_ =	shalt  }
0x6b: {  	_ =	shalt  }
0x6c: {  	_ =	shalt  }
0x6d: {  	_ =	shalt  }
0x6e: {  	_ =	shalt  }
0x6f: {  	_ =	shalt  }
0x70: {  	_ =	shalt  }
0x71: {  	_ =	shalt  }
0x72: {  	_ =	shalt  }
0x73: {  	_ =	shalt  }
0x74: {  	_ =	shalt  }
0x75: {  	_ =	shalt  }
0x76: {  	_ =	shalt  }
0x77: {  	_ =	shalt  }
0x78: {  	_ =	shalt  }
0x79: {  	_ =	shalt  }
0x7a: {  	_ =	shalt  }
0x7b: {  	_ =	shalt  }
0x7c: {  	_ =	shalt  }
0x7d: {  	_ =	shalt  }
0x7e: {  	_ =	shalt  }
0x7f: {  	_ =	shalt  }
0x80: {  	_ =	shalt  }
0x81: {  	_ =	shalt  }
0x82: {  	_ =	shalt  }
0x83: {  	_ =	shalt  }
0x84: {  	_ =	shalt  }
0x85: {  	_ =	shalt  }
0x86: {  	_ =	shalt  }
0x87: {  	_ =	shalt  }
.Lfunc_end0:
.L_simem_size_0:
called_computation.1_lowered:
.L_overlay_start_0:
0x88: {  	s2 =	sld [smem:$0x3FD9]  }
0x89: {  	s3 =	sld [smem:$0x3FFE];
	_ =	sdelay $0x1  }
0x8a: {  	s1 =	srdreg.scid  }
0x8b: {  	s0 =	sand.u32 $0x1, s1  }
0x8c: {  	s17 =	sshll.u32 s0, $0xA;
	s2 =	sadd.s32 s3, s2  }
0x8d: {  	s2 =	sadd.s32 s2, s17  }
0x8e: {  	[smem:$0x3FC3] =	sst s2  }
0x8f: {  	_ = 	snop  }
0x90: {  	s2 =	sld [smem:$0x3FD0];
	(tm) =	ssettm $0x1  }
0x91: {  	s18 =	sld [smem:$0x3FFB];
	_ =	sdelay $0x3  }
0x92: {  	_ =	strace s18  }
0x93: {  	s3 =	sld [smem:$0x3FFC];
	_ =	sdelay $0x3  }
0x94: {  	_ =	strace s3  }
0x95: {  	s3 =	sld [smem:$0x3FFD];
	_ =	sdelay $0x3  }
0x96: {  	_ =	strace s3  }
0x97: {  	_ =	strace $0x8FFFFFFF  }
0x98: {  	s19 =	sld [smem:$0x3FDB];
	_ =	sdelay $0x1  }
0x99: {  	s4 =	simm.s32 $_scs_section_size  }
0x9a: {  	s5 =	simm.s32 $_size__tile_overlayer_lowered;
	s6 =	simm.s32 $_tile_overlayer_lowered  }
0x9b: {  	s22 =	simm.s32 $0x1BFF;
	s21 =	sshll.u32 s6, $0x1;
	s3 =	sadd.s32 s4, s19  }
0x9c: {  	s7 =	simm.s32 $0x0;
	s20 =	sshll.u32 s5, $0x1;
	s5 =	sadd.s32 s21, s3  }
0x9d: {  	[timem:s7], [sflag:s22] =	dma.local [hbm:s5], s20  }
0x9e: {  	_ =	swait.ge [sflag:s22], s20  }
0x9f: {  	s4 =	ssub.s32 $0x0, s20;
	[sflag:s22] =	ssyncset.done $0x0  }
0xa0: {  	[sflag:s22] =	ssyncadd.s32 s4;
	_ =	sdelay $0x1  }
0xa1: {  	s23 =	simm.s32 $0x1B8B  }
0xa2: {  	_ =	swait.ge [sflag:s23], $0x1  }
0xa3: {  	[sflag:s23] =	ssyncset.done $0x0  }
0xa4: {  	s25 =	simm.s32 $0x1B8E;
	s24 =	sld [smem:$0x3FFE];
	[sflag:s23] =	ssyncadd.s32 $0xFFFFFFFF  }
0xa5: {  	s26 =	simm.s32 $execute0_lowered;
	[smem:$0x3FD2] =	sst s25  }
0xa6: {  	s5 =	sshll.u32 s26, $0x1;
	_ =	strace $0x80000049;
	[dreg:$0x1] =	wrdreg $0xFFFFFFFF  }
0xa7: {  	s28 =	simm.s32 $_size_execute0_lowered;
	s3 =	sadd.s32 s3, s5;
	[dreg:$0x0] =	wrdreg $0x0  }
0xa8: {  	s5 =	sshll.u32 s28, $0x1;
	[dreg:$0x2] =	wrdreg s3  }
0xa9: {  	[dreg:$0x3] =	wrdreg s5  }
0xaa: {  	[dreg:$0x4] =	wrdreg $0xC0  }
0xab: {  	_ =	task [dreg:s7], $0x5FFFF  }
0xac: {  	[dreg:$0x1] =	wrdreg $0xFFFFFFFF  }
0xad: {  	[dreg:$0x0] =	wrdreg $0x60  }
0xae: {  	[dreg:$0x2] =	wrdreg s24  }
0xaf: {  	[dreg:$0x3] =	wrdreg s2  }
0xb0: {  	[dreg:$0x4] =	wrdreg $0x0  }
0xb1: {  	[dreg:$0x5] =	wrdreg $0x9  }
0xb2: {  	_ =	task.clear_ibuf [dreg:s7], $0x6FFFF;
	_ =	strace $0x90000049  }
0xb3: {  	s29 =	simm.s32 $0x9;
	_ =	strace $0x8000004B  }
0xb4: {  	_ =	swait.ge [sflag:s29], $0x1  }
0xb5: {  	[sflag:s29] =	ssyncadd.s32 $0xFFFFFFFF  }
0xb6: {  	_ =	strace $0x9000004B  }
0xb7: {  	_ =	sfence  }
0xb8: {  	s30 =	sld [smem:$0x0];
	_ =	sdelay $0x2  }
0xb9: {  	s31 =	sshll.u32 s1, $0xD;
	s1 =	sshrl.u32 s1, $0x2  }
0xba: {  	s3 =	sand.u32 $0x4000, s31;
	s1 =	sadd.s32 s1, s30  }
0xbb: {  	s0 =	sor.u32 s3, s0;
	s1 =	sshll.u32 s1, $0x11  }
0xbc: {  	s0 =	sor.u32 s1, s0  }
0xbd: {  	s0 =	sadd.s32 $0x8F2B, s0  }
0xbe: {  	[sflag:s0] =	ssyncadd.remote.s32 $0x1  }
0xbf: {  	_ =	sfence.sel $0xFFFF  }
0xc0: {  	[dreg:$0x0] =	wrdreg $0xFFFFFFFF;
	(pc) =	sbr.abs _section_cstart, $3  }
0xc1: {  	[dreg:$0x1] =	wrdreg $0xFFFFFFFF  }
0xc2: {  	_ =	task.clear_ibuf [dreg:s7], $0x2FFFF;
	_ =	strace $0x9FFFFFFF  }
0xc3: {  	(tm) =	ssettm $0x7FFFFFFF  }
tec
execute0_lowered:
.L_overlay_start_1:
0x0: {  	(tag) =	ssettag $0x1  }
0x1: {  	s0 =	rddreg [dreg:$0x0]  }
0x2: {  	s1 =	rddreg [dreg:$0x1]  }
0x3: {  	s2 =	rddreg [dreg:$0x2];
	s4 =	simm.s32 $0x0  }
0x4: {  	s3 =	srdreg.scid;
	s14 =	stileid.u32;
	s17 =	simm.s32 $0x7  }
0x5: {  	s19 =	simm.s32 $0x40;
	s23 =	simm.s32 $0x17C00;
	s8 =	smul.u32 $0x280, s14  }
0x6: {  	s25 =	simm.s32 $0x0;
	[smem:$0x7FF] =	sst s4;
	s12 =	smul.u32 $0x50000, s14  }
0x7: {  	s3 =	sand.u32 $0x1, s3;
	s5 =	sadd.s32 $0xFC00, s0;
	s13 =	smul.u32 $0x500, s14  }
0x8: {  	s6 =	sadd.s32 $0xAC00, s0;
	s7 =	sadd.s32 $0xC00, s0;
	s9 =	smul.u32 $0x2800, s3  }
0x9: {  	s29 =	sshll.u32 s14, $0x6;
	_ =	strace $0x8000004A;
	s3 =	ssub.s32 $0x2, s3  }
0xa: {  	s11 =	sshrl.u32 s3, $0x1;
	s10 =	sadd.s32 s8, s9;
	s8 =	smul.u32 $0xA0, s14  }
0xb: {  	s28 =	sshrl.u32 s12, $0x2;
	s3 =	ssub.s32 s3, s11;
	s14 =	smul.u32 $0xA00, s14  }
0xc: {  	s15 =	sadd.s32 s28, s2;
	s10 =	sshll.u32 s10, $0x4;
	s31 =	smax.u32 s3, $0x1  }
0xd: {  	s0 =	sadd.s32 s10, s0;
	s10 =	sadd.s32 s5, s10;
	[dreg:$0x7] =	wrdreg s31  }
0xe: {  	s11 =	sadd.s32 s6, s13;
	s30 =	sadd.s32 s1, s14;
	[dreg:$0x4] =	wrdreg s10  }
0xf: {  	s13 =	sadd.s32 s7, s13;
	[dreg:$0x5] =	wrdreg s30;
	s0 =	sadd.s32 $0x5FC00, s0  }
0x10: {  	v0 =	vmov s9;
	s16 =	sshrl.u32 s15, $0x3;
	s10 =	sor.u32 $0x1C07, s29;
	[dreg:$0x6] =	wrdreg s0  }
.LBB2_1:
0x11: {  	s0 =	rddreg [dreg:$0x4]  }
0x12: {  	[spmem:s16], [sflag:s10] =	dma.local [hbm:s0], $0x2800  }
0x13: {  	_ =	swait.ge [sflag:s17], $0x2800  }
0x14: {  	[sflag:s17] =	ssyncset.done $0x0  }
0x15: {  	s12 =	sadd.s32 $0x0, s11;
	s3 =	simm.s32 $0x14100;
	[sflag:s17] =	ssyncadd.s32 $0xFFFFD800  }
0x16: {  	s9 =	simm.s32 $0x14000;
	s0 =	simm.s32 $0x10;
	[bflag:$0x0] =	sbarrier.arrive $0xFFFF  }
.LBB2_2:
0x17: {  	[tilespmem:s9], [sflag:$0x7] =	stream.linear.gather [hbm4b:s12+s4], $0x80, $0x38;
	[tilespmem:$0x1F000] =	vst v63  }
0x18: {  	s12 =	smov.u32 s0;
	s9 =	smov.u32 s3;
	p0 =	sne.s32 s0, $0x130  }
.Ltmp0:
0x19: {  	s0 =	sadd.s32 $0x10, s0;
	(pc) =	sbr.rel @p0 .LBB2_2-.Ltmp0, $2  }
0x1a: {  	_ =	sdelay $0x2  }
0x1b: {  	s3 =	sadd.s32 $0x100, s3;
	s12 =	sadd.s32 s12, s11  }
0x1c: {  	[tilespmem:s9], [sflag:$0x7] =	stream.linear.gather [hbm4b:s12+s4], $0x80, $0x38;
	[tilespmem:$0x1F000] =	vst v63  }
0x1d: {  	_ =	swait.ge [sflag:s17], $0xA00  }
0x1e: {  	s0 =	simm.s32 $0x0;
	[sflag:s17] =	ssyncset.done $0x0  }
0x1f: {  	s31 =	simm.s32 $0x15400;
	s3 =	rddreg [dreg:$0x5];
	[sflag:s17] =	ssyncadd.s32 $0xFFFFF600  }
0x20: {  	[tilespmem:s31], [sflag:$0x7] =	stream.linear.gather [hbm4b:s3+s0], $0x1400, $0x38;
	[tilespmem:$0x1F000] =	vst v63  }
0x21: {  	_ =	swait.ge [sflag:s17], $0x1400  }
0x22: {  	s12 =	sadd.s32 $0x0, s13;
	s9 =	simm.s32 $0x17D00;
	[sflag:s17] =	ssyncset.done $0x0  }
0x23: {  	s0 =	simm.s32 $0x17C00;
	s3 =	simm.s32 $0x10;
	[sflag:s17] =	ssyncadd.s32 $0xFFFFEC00  }
.LBB2_4:
0x24: {  	[tilespmem:s0], [sflag:$0x7] =	stream.linear.gather [hbm4b:s12+s4], $0x80, $0x38;
	[tilespmem:$0x1F000] =	vst v63  }
0x25: {  	s12 =	smov.u32 s3;
	s0 =	smov.u32 s9;
	p0 =	sne.s32 s3, $0x130  }
.Ltmp1:
0x26: {  	s3 =	sadd.s32 $0x10, s3;
	(pc) =	sbr.rel @p0 .LBB2_4-.Ltmp1, $2  }
0x27: {  	_ =	sdelay $0x2  }
0x28: {  	s9 =	sadd.s32 $0x100, s9;
	s12 =	sadd.s32 s12, s13  }
0x29: {  	[tilespmem:s0], [sflag:$0x7] =	stream.linear.gather [hbm4b:s12+s4], $0x80, $0x38;
	[tilespmem:$0x1F000] =	vst v63  }
0x2a: {  	s31 =	simm.s32 $0x0;
	_ =	swait.ge [sflag:s17], $0xA00  }
0x2b: {  	s3 =	sand.u32 $0x70, s31;
	s0 =	sand.u32 $0x1F00, s31;
	[sflag:s17] =	ssyncset.done $0x0  }
0x2c: {  	s0 =	sor.u32 s3, s0;
	[sflag:s17] =	ssyncadd.s32 $0xFFFFF600  }
0x2d: {  	v1 =	vld [tilespmem:s0+$0x14000];
	_ =	sdelay $0x3  }
0x2e: {  	s9 =	simm.s32 $0x10;
	s3 =	simm.s32 $0x20  }
0x2f: {  	s12 =	sand.u32 $0x70, s9;
	s9 =	simm.s32 $0x20;
	s14 =	sand.u32 $0x1F00, s3;
	v1 =	vadd.s32 v0, v1  }
.LBB2_6:
0x30: {  	p0 =	sne.s32 s9, $0x9F0;
	[tilespmem:s0+$0x14000] =	vst v1;
	s0 =	sor.u32 s12, s14  }
0x31: {  	v1 =	vld [tilespmem:s0+$0x14000]  }
.Ltmp2:
0x32: {  	(pc) =	sbr.rel @p0 .LBB2_6-.Ltmp2, $3  }
0x33: {  	_ =	sdelay $0x1  }
0x34: {  	s3 =	sadd.s32 $0x20, s3  }
0x35: {  	s12 =	sand.u32 $0x70, s9;
	s9 =	sadd.s32 $0x10, s9;
	s14 =	sand.u32 $0x1F00, s3;
	v1 =	vadd.s32 v0, v1  }
0x36: {  	s3 =	sor.u32 s12, s14;
	[tilespmem:s0+$0x14000] =	vst v1  }
0x37: {  	v1 =	vld [tilespmem:s3+$0x14000];
	_ =	sdelay $0x4  }
0x38: {  	v1 =	vadd.s32 v0, v1  }
0x39: {  	s26 =	simm.s32 $0x19000;
	s24 =	simm.s32 $0x14000;
	s30 =	simm.s32 $0x14040;
	[tilespmem:s3+$0x14000] =	vst v1  }
0x3a: {  	[tilespmem:s26], [sflag:$0x1] =	stream.indirect.gather [hbm4b:s5+s19], $0x80, s24, s19, $0xb8;
	[tilespmem:$0x1F000] =	vst v63  }
0x3b: {  	s31 =	simm.s32 $0x1B000;
	s28 =	simm.s32 $0x0;
	s29 =	simm.s32 $0x0  }
0x3c: {  	[tilespmem:s31], [sflag:$0x2] =	stream.indirect.gather [hbm4b:s5+s19], $0x80, s30, s19, $0xb8;
	[tilespmem:$0x1F000] =	vst v63  }
.LBB2_8:
0x3d: {  	s0 =	smul.u32 $0xCD, s29;
	_ =	sdelay $0x1  }
0x3e: {  	s0 =	sshrl.u32 s0, $0xD  }
0x3f: {  	s0 =	sand.u32 $0x7, s0  }
0x40: {  	s3 =	smul.u32 $0x28, s0;
	_ =	sdelay $0x1  }
0x41: {  	p0 =	sgt.u32 s29, $0x77;
	s18 =	ssub.s32 s29, s3  }
0x42: {  	s3 =	sand.u32 @!p0 $0xFF, s18  }
0x43: {  	p1 =	sne.s32 @!p0 s3, $0x26  }
0x44: {  	p0 =	por p0, p1  }
.Ltmp3:
0x45: {  	_ = 	snop;
	(pc) =	sbr.rel @p0 .LBB2_16-.Ltmp3, $3  }
0x46: {  	_ = 	snop  }
0x47: {  	s9 =	smulhi.u32 $0xCCCCCCCD, s29;
	_ =	sdelay $0x1  }
0x48: {  	s3 =	sshrl.u32 s9, $0x5  }
0x49: {  	s30 =	sadd.s32 $0x1, s0  }
0x4a: {  	s12 =	smul.u32 $0x28, s30  }
0x4b: {  	s9 =	sxor.u32 $0xFFFFFFFF, s3  }
0x4c: {  	s14 =	simm.s32 $0x10;
	s9 =	sshll.u32 s9, $0x7;
	s31 =	sadd.s32 s8, s12  }
0x4d: {  	s24 =	sshll.u32 s30, $0x7;
	s9 =	sand.u32 $0x80, s9;
	s22 =	sshll.u32 s31, $0x3  }
0x4e: {  	s20 =	sor.u32 $0x17C00, s9;
	s9 =	sor.u32 $0x14000, s9;
	s12 =	sadd.s32 s6, s22  }
0x4f: {  	s21 =	sand.u32 $0x80, s24;
	s15 =	sadd.s32 $0x100, s9;
	s24 =	sadd.s32 $0x0, s12  }
.LBB2_10:
0x50: {  	[tilespmem:s9], [sflag:$0x7] =	stream.linear.gather [hbm4b:s24+s4], $0x80, $0x38;
	[tilespmem:$0x1F000] =	vst v63  }
0x51: {  	s24 =	smov.u32 s14;
	s9 =	smov.u32 s15;
	p0 =	sne.s32 s14, $0x130  }
.Ltmp4:
0x52: {  	s14 =	sadd.s32 $0x10, s14;
	(pc) =	sbr.rel @p0 .LBB2_10-.Ltmp4, $2  }
0x53: {  	_ =	sdelay $0x2  }
0x54: {  	s15 =	sadd.s32 $0x100, s15;
	s24 =	sadd.s32 s24, s12  }
0x55: {  	[tilespmem:s9], [sflag:$0x7] =	stream.linear.gather [hbm4b:s24+s4], $0x80, $0x38;
	[tilespmem:$0x1F000] =	vst v63  }
0x56: {  	s30 =	sand.u32 $0x1, s30  }
0x57: {  	s9 =	simm.s32 $0x16800;
	s12 =	sshll.u32 s31, $0x4;
	_ =	swait.ge [sflag:s17], $0xA00  }
0x58: {  	s14 =	simm.s32 $0x0;
	p0 =	seq.s32 s30, $0x1;
	[sflag:s17] =	ssyncset.done $0x0  }
0x59: {  	s12 =	sadd.s32 s1, s12;
	s9 =	simm.s32 @!p0 $0x15400;
	[sflag:s17] =	ssyncadd.s32 $0xFFFFF600  }
0x5a: {  	[tilespmem:s9], [sflag:$0x7] =	stream.linear.gather [hbm4b:s12+s14], $0x1400, $0x38;
	[tilespmem:$0x1F000] =	vst v63  }
0x5b: {  	_ =	swait.ge [sflag:s17], $0x1400  }
0x5c: {  	s9 =	sadd.s32 s7, s22;
	s12 =	simm.s32 $0x10;
	[sflag:s17] =	ssyncset.done $0x0  }
0x5d: {  	s14 =	sadd.s32 $0x100, s20;
	s15 =	sadd.s32 $0x0, s9;
	[sflag:s17] =	ssyncadd.s32 $0xFFFFEC00  }
.LBB2_12:
0x5e: {  	[tilespmem:s20], [sflag:$0x7] =	stream.linear.gather [hbm4b:s15+s4], $0x80, $0x38;
	[tilespmem:$0x1F000] =	vst v63  }
0x5f: {  	s15 =	smov.u32 s12;
	s20 =	smov.u32 s14;
	p0 =	sne.s32 s12, $0x130  }
.Ltmp5:
0x60: {  	s12 =	sadd.s32 $0x10, s12;
	(pc) =	sbr.rel @p0 .LBB2_12-.Ltmp5, $2  }
0x61: {  	_ =	sdelay $0x2  }
0x62: {  	s14 =	sadd.s32 $0x100, s14;
	s15 =	sadd.s32 s15, s9  }
0x63: {  	v1 =	vmov s21  }
0x64: {  	[tilespmem:s20], [sflag:$0x7] =	stream.linear.gather [hbm4b:s15+s4], $0x80, $0x38;
	[tilespmem:$0x1F000] =	vst v63  }
0x65: {  	s9 =	simm.s32 $0x0;
	_ =	swait.ge [sflag:s17], $0xA00  }
0x66: {  	s12 =	sand.u32 $0x70, s9;
	s9 =	sand.u32 $0x1F00, s9;
	[sflag:s17] =	ssyncset.done $0x0  }
0x67: {  	s20 =	sor.u32 s12, s9;
	[sflag:s17] =	ssyncadd.s32 $0xFFFFF600  }
0x68: {  	v2 =	vld.idx.msk [tilespmem:v1+s20+$0x14000 ss:$0x1], $0xffff;
	_ =	sdelay $0x3  }
0x69: {  	s31 =	simm.s32 $0x10;
	s21 =	simm.s32 $0x20  }
0x6a: {  	s22 =	simm.s32 $0x20;
	s9 =	sand.u32 $0x70, s31;
	s12 =	sand.u32 $0x1F00, s21;
	v2 =	vadd.s32 v0, v2  }
.LBB2_14:
0x6b: {  	p0 =	sne.s32 s22, $0x9F0;
	[tilespmem:v1+s20+$0x14000 ss:$0x1] =	vst.idx.msk $0xffff, v2;
	s20 =	sor.u32 s9, s12  }
0x6c: {  	v2 =	vld.idx.msk [tilespmem:v1+s20+$0x14000 ss:$0x1], $0xffff;
	_ =	sdelay $0x1  }
.Ltmp6:
0x6d: {  	(pc) =	sbr.rel @p0 .LBB2_14-.Ltmp6, $3  }
0x6e: {  	_ =	sdelay $0x1  }
0x6f: {  	s21 =	sadd.s32 $0x20, s21  }
0x70: {  	s9 =	sand.u32 $0x70, s22;
	s22 =	sadd.s32 $0x10, s22;
	s12 =	sand.u32 $0x1F00, s21;
	v2 =	vadd.s32 v0, v2  }
0x71: {  	_ =	sdelay $0x3  }
0x72: {  	s9 =	sor.u32 s9, s12;
	[tilespmem:v1+s20+$0x14000 ss:$0x1] =	vst.idx.msk $0xffff, v2  }
0x73: {  	v2 =	vld.idx.msk [tilespmem:v1+s9+$0x14000 ss:$0x1], $0xffff;
	_ =	sdelay $0x4  }
0x74: {  	v2 =	vadd.s32 v0, v2  }
0x75: {  	[tilespmem:v1+s9+$0x14000 ss:$0x1] =	vst.idx.msk $0xffff, v2  }
.LBB2_16:
0x76: {  	s3 =	smul.u32 $0xA00, s3;
	_ =	sdelay $0x1  }
0x77: {  	s9 =	smulhi.u32 $0xAAAAAAAB, s29;
	s3 =	ssub.s32 s28, s3  }
0x78: {  	s31 =	sand.u32 $0x1, s0;
	s15 =	sadd.s32 $0x0, s3  }
0x79: {  	v1 =	vmov s31;
	s9 =	sshrl.u32 s9, $0x1;
	v2 =	vmov s15  }
0x7a: {  	v1 =	vshll.u32 v1, $0x7;
	s12 =	smul.u32 $0x3, s9;
	v3 =	vshll.u32 v2, $0x1  }
0x7b: {  	v1 =	vbroadcast v1, $0x0;
	v2 =	vand.u32 $0x7C, v2;
	v3 =	vand.u32 $0x1F00, v3  }
0x7c: {  	s30 =	ssub.s32 s29, s12;
	v2 =	vor.u32 v3, v2  }
0x7d: {  	s9 =	smul.u32 $0xFFFE8000, s9;
	s12 =	sadd.s32 $0x1, s30;
	v2 =	vor.u32 v1, v2  }
0x7e: {  	_ =	swait.ge [sflag:s12], $0x2000  }
0x7f: {  	s9 =	sshra.s32 s9, $0x2;
	[sflag:s12] =	ssyncset.done $0x0  }
0x80: {  	s22 =	sadd.s32 s9, s26;
	[sflag:s12] =	ssyncadd.s32 $0xFFFFE000  }
0x81: {  	v3 =	vld [tilespmem:s22+$0x70]  }
0x82: {  	v2 =	vld.idx.msk [tilespmem:v2+s23+$0x0], $0xffff  }
0x83: {  	v4 =	vld [tilespmem:s22+$0x0]  }
0x84: {  	v5 =	vld [tilespmem:s22+$0x20]  }
0x85: {  	v6 =	vld [tilespmem:s22+$0x30]  }
0x86: {  	v7 =	vld [tilespmem:s22+$0x50]  }
0x87: {  	s20 =	sadd.s32 $0x1, s15;
	v8 =	vld [tilespmem:s22+$0x60];
	v3 =	vmul.f32 v3, v2  }
0x88: {  	v9 =	vmov s20;
	v10 =	vld [tilespmem:s22+$0x40];
	v4 =	vmul.f32 v4, v2  }
0x89: {  	v11 =	vshll.u32 v9, $0x1;
	v12 =	vld [tilespmem:s22+$0x10];
	v5 =	vmul.f32 v5, v2;
	[tilespmem:s22+$0x70] =	vst v3  }
0x8a: {  	v6 =	vmul.f32 v6, v2;
	v3 =	vand.u32 $0x7D, v9;
	v9 =	vand.u32 $0x7FFFFF00, v11;
	[tilespmem:s22+$0x0] =	vst v4  }
0x8b: {  	v4 =	vmul.f32 v7, v2;
	[tilespmem:s22+$0x20] =	vst v5;
	v3 =	vor.u32 v9, v3  }
0x8c: {  	v5 =	vmul.f32 v8, v2;
	[tilespmem:s22+$0x30] =	vst v6;
	v3 =	vor.u32 v1, v3  }
0x8d: {  	v6 =	vmul.f32 v10, v2;
	[tilespmem:s22+$0x50] =	vst v4  }
0x8e: {  	v2 =	vmul.f32 v12, v2;
	[tilespmem:s22+$0x60] =	vst v5  }
0x8f: {  	v7 =	vld [tilespmem:s22+$0xE0];
	[tilespmem:s22+$0x40] =	vst v6  }
0x90: {  	[tilespmem:s22+$0x10] =	vst v2;
	v2 =	vld [tilespmem:s22+$0x80]  }
0x91: {  	v5 =	vld.idx.msk [tilespmem:v3+s23+$0x0], $0xffff  }
0x92: {  	v3 =	vld [tilespmem:s22+$0xA0]  }
0x93: {  	v6 =	vld [tilespmem:s22+$0xC0]  }
0x94: {  	v8 =	vld [tilespmem:s22+$0xB0]  }
0x95: {  	v9 =	vld [tilespmem:s22+$0xD0]  }
0x96: {  	s21 =	sadd.s32 $0x2, s15;
	v4 =	vld [tilespmem:s22+$0xF0];
	v2 =	vmul.f32 v2, v5  }
0x97: {  	v11 =	vmov s21;
	v3 =	vmul.f32 v3, v5  }
0x98: {  	v10 =	vld [tilespmem:s22+$0x90];
	v63 =	vshll.u32 v11, $0x1;
	v6 =	vmul.f32 v6, v5;
	[tilespmem:s22+$0x80] =	vst v2  }
0x99: {  	v7 =	vmul.f32 v7, v5;
	[tilespmem:s22+$0xA0] =	vst v3;
	v3 =	vand.u32 $0x7E, v11;
	v11 =	vand.u32 $0x7FFFFF00, v63  }
0x9a: {  	v8 =	vmul.f32 v8, v5;
	[tilespmem:s22+$0xC0] =	vst v6;
	v3 =	vor.u32 v11, v3  }
0x9b: {  	v4 =	vmul.f32 v4, v5;
	v6 =	vmul.f32 v9, v5;
	[tilespmem:s22+$0xE0] =	vst v7;
	v9 =	vor.u32 v1, v3  }
0x9c: {  	v2 =	vld [tilespmem:s22+$0x110];
	[tilespmem:s22+$0xB0] =	vst v8  }
0x9d: {  	v5 =	vmul.f32 v10, v5;
	[tilespmem:s22+$0xF0] =	vst v4;
	v7 =	vld [tilespmem:s22+$0x130]  }
0x9e: {  	s0 =	sadd.s32 $0x3, s15;
	[tilespmem:s22+$0xD0] =	vst v6;
	v3 =	vld [tilespmem:s22+$0x140]  }
0x9f: {  	v4 =	vmov s0;
	v6 =	vld [tilespmem:s22+$0x120];
	[tilespmem:s22+$0x90] =	vst v5  }
0xa0: {  	v8 =	vshll.u32 v4, $0x1;
	v5 =	vld.idx.msk [tilespmem:v9+s23+$0x0], $0xffff  }
0xa1: {  	s20 =	sand.u32 $0xFF, s18;
	s24 =	sshll.u32 s30, $0xD;
	v4 =	vand.u32 $0x7F, v4;
	v9 =	vand.u32 $0x7FFFFF00, v8;
	v8 =	vld [tilespmem:s22+$0x100]  }
0xa2: {  	s18 =	sor.u32 $0x19000, s24;
	s21 =	simm.s32 $0x4;
	s0 =	smov.u32 s22;
	v4 =	vor.u32 v9, v4;
	v9 =	vld [tilespmem:s22+$0x170]  }
.LBB2_17:
0xa3: {  	p0 =	sne.s32 s21, $0x3C  }
0xa4: {  	v10 =	vld [tilespmem:s22+$0x160];
	s0 =	sadd.s32 $0x200, s0;
	s9 =	smov.u32 s21;
	s21 =	sadd.s32 $0x4, s21  }
0xa5: {  	v11 =	vld [tilespmem:s22+$0x150];
	_ =	sdelay $0x1  }
0xa6: {  	v7 =	vmul.f32 v7, v5;
	v8 =	vmul.f32 v8, v5  }
0xa7: {  	v6 =	vmul.f32 v6, v5;
	v9 =	vmul.f32 v9, v5  }
0xa8: {  	v2 =	vmul.f32 v2, v5;
	v3 =	vmul.f32 v3, v5;
	[tilespmem:s22+$0x130] =	vst v7  }
0xa9: {  	[tilespmem:s22+$0x120] =	vst v6;
	v6 =	vmul.f32 v11, v5;
	v5 =	vmul.f32 v10, v5  }
0xaa: {  	[tilespmem:s22+$0x170] =	vst v9  }
0xab: {  	v4 =	vor.u32 v1, v4;
	[tilespmem:s22+$0x160] =	vst v5;
	v5 =	vld [tilespmem:s22+$0x1B0]  }
0xac: {  	[tilespmem:s22+$0x100] =	vst v8;
	v7 =	vld [tilespmem:s22+$0x180]  }
0xad: {  	[tilespmem:s22+$0x150] =	vst v6;
	v6 =	vld [tilespmem:s22+$0x1D0]  }
0xae: {  	[tilespmem:s22+$0x140] =	vst v3;
	v8 =	vld [tilespmem:s22+$0x1A0]  }
0xaf: {  	v3 =	vld [tilespmem:s0+$0x140];
	[tilespmem:s22+$0x110] =	vst v2  }
0xb0: {  	v4 =	vld.idx.msk [tilespmem:v4+s23+$0x0], $0xffff  }
0xb1: {  	v9 =	vld [tilespmem:s22+$0x190]  }
0xb2: {  	v2 =	vld [tilespmem:s0+$0x110]  }
0xb3: {  	v10 =	vld [tilespmem:s22+$0x1C0]  }
0xb4: {  	v11 =	vld [tilespmem:s22+$0x1E0]  }
0xb5: {  	v12 =	vld [tilespmem:s22+$0x1F0]  }
0xb6: {  	s9 =	sadd.s32 s9, s3;
	v7 =	vmul.f32 v7, v4;
	v9 =	vmul.f32 v9, v4  }
0xb7: {  	v13 =	vmov s9;
	s12 =	sadd.s32 $0x1, s9;
	s14 =	sadd.s32 $0x2, s9;
	s9 =	sadd.s32 $0x3, s9;
	v8 =	vmul.f32 v8, v4;
	v5 =	vmul.f32 v5, v4  }
0xb8: {  	v14 =	vshll.u32 v13, $0x1;
	v6 =	vmul.f32 v6, v4;
	[tilespmem:s22+$0x180] =	vst v7;
	v7 =	vmul.f32 v10, v4  }
0xb9: {  	v10 =	vand.u32 $0x7C, v13;
	v13 =	vand.u32 $0x1F00, v14;
	[tilespmem:s22+$0x1B0] =	vst v5;
	v5 =	vmul.f32 v11, v4  }
0xba: {  	v10 =	vor.u32 v13, v10;
	v11 =	vmov s12;
	[tilespmem:s22+$0x1A0] =	vst v8;
	v4 =	vmul.f32 v12, v4  }
0xbb: {  	v8 =	vor.u32 v1, v10;
	v10 =	vshll.u32 v11, $0x1;
	v12 =	vmov s14;
	[tilespmem:s22+$0x1D0] =	vst v6  }
0xbc: {  	v11 =	vand.u32 $0x7D, v11;
	v10 =	vand.u32 $0x7FFFFF00, v10;
	v13 =	vshll.u32 v12, $0x1;
	v6 =	vld [tilespmem:s0+$0x50];
	[tilespmem:s22+$0x1C0] =	vst v7  }
0xbd: {  	v10 =	vor.u32 v10, v11;
	v11 =	vand.u32 $0x7E, v12;
	v12 =	vand.u32 $0x7FFFFF00, v13;
	v7 =	vld [tilespmem:s0+$0x30];
	[tilespmem:s22+$0x1F0] =	vst v4  }
0xbe: {  	v11 =	vor.u32 v12, v11;
	v4 =	vmov s9;
	v13 =	vld [tilespmem:s0+$0x60];
	[tilespmem:s22+$0x190] =	vst v9  }
0xbf: {  	v12 =	vshll.u32 v4, $0x1;
	v9 =	vld [tilespmem:s0+$0x70];
	[tilespmem:s22+$0x1E0] =	vst v5;
	s22 =	smov.u32 s0  }
0xc0: {  	v4 =	vand.u32 $0x7F, v4;
	v5 =	vld.idx.msk [tilespmem:v8+s23+$0x0], $0xffff;
	v8 =	vand.u32 $0x7FFFFF00, v12  }
0xc1: {  	v12 =	vld [tilespmem:s0+$0x0];
	v4 =	vor.u32 v8, v4  }
0xc2: {  	v8 =	vld [tilespmem:s0+$0x20]  }
0xc3: {  	v14 =	vld [tilespmem:s0+$0x10]  }
0xc4: {  	v15 =	vld [tilespmem:s0+$0x40];
	_ =	sdelay $0x1  }
0xc5: {  	v9 =	vmul.f32 v9, v5;
	v12 =	vmul.f32 v12, v5  }
0xc6: {  	v13 =	vmul.f32 v13, v5;
	v8 =	vmul.f32 v8, v5  }
0xc7: {  	v7 =	vmul.f32 v7, v5;
	v14 =	vmul.f32 v14, v5;
	[tilespmem:s0+$0x70] =	vst v9  }
0xc8: {  	[tilespmem:s0+$0x0] =	vst v12;
	v9 =	vmul.f32 v15, v5;
	v5 =	vmul.f32 v6, v5  }
0xc9: {  	[tilespmem:s0+$0x20] =	vst v8  }
0xca: {  	v6 =	vor.u32 v1, v10;
	[tilespmem:s0+$0x30] =	vst v7  }
0xcb: {  	[tilespmem:s0+$0x50] =	vst v5;
	v5 =	vld [tilespmem:s0+$0xF0]  }
0xcc: {  	[tilespmem:s0+$0x60] =	vst v13;
	v7 =	vld [tilespmem:s0+$0xE0]  }
0xcd: {  	[tilespmem:s0+$0x40] =	vst v9;
	v8 =	vld [tilespmem:s0+$0xD0]  }
0xce: {  	[tilespmem:s0+$0x10] =	vst v14;
	v9 =	vld [tilespmem:s0+$0xC0]  }
0xcf: {  	v6 =	vld.idx.msk [tilespmem:v6+s23+$0x0], $0xffff  }
0xd0: {  	v10 =	vld [tilespmem:s0+$0x80]  }
0xd1: {  	v12 =	vld [tilespmem:s0+$0xA0]  }
0xd2: {  	v13 =	vld [tilespmem:s0+$0x90]  }
0xd3: {  	v14 =	vld [tilespmem:s0+$0xB0];
	_ =	sdelay $0x1  }
0xd4: {  	v9 =	vmul.f32 v9, v6;
	v10 =	vmul.f32 v10, v6  }
0xd5: {  	v8 =	vmul.f32 v8, v6;
	v12 =	vmul.f32 v12, v6  }
0xd6: {  	v7 =	vmul.f32 v7, v6;
	[tilespmem:s0+$0x80] =	vst v10;
	v10 =	vmul.f32 v13, v6  }
0xd7: {  	v5 =	vmul.f32 v5, v6;
	[tilespmem:s0+$0xA0] =	vst v12;
	v12 =	vmul.f32 v14, v6  }
0xd8: {  	[tilespmem:s0+$0xC0] =	vst v9  }
0xd9: {  	v9 =	vor.u32 v1, v11;
	[tilespmem:s0+$0xE0] =	vst v7  }
0xda: {  	[tilespmem:s0+$0xB0] =	vst v12  }
0xdb: {  	[tilespmem:s0+$0xD0] =	vst v8  }
.Ltmp7:
0xdc: {  	[tilespmem:s0+$0xF0] =	vst v5;
	v6 =	vld [tilespmem:s0+$0x120];
	(pc) =	sbr.rel @p0 .LBB2_17-.Ltmp7, $4  }
0xdd: {  	[tilespmem:s0+$0x90] =	vst v10;
	v7 =	vld [tilespmem:s0+$0x130]  }
0xde: {  	v5 =	vld.idx.msk [tilespmem:v9+s23+$0x0], $0xffff  }
0xdf: {  	v8 =	vld [tilespmem:s0+$0x100]  }
0xe0: {  	v9 =	vld [tilespmem:s0+$0x170]  }
0xe1: {  	_ =	sdelay $0x1  }
0xe2: {  	v7 =	vmul.f32 v7, v5  }
0xe3: {  	v10 =	vld [tilespmem:s22+$0x160];
	v6 =	vmul.f32 v6, v5  }
0xe4: {  	v11 =	vld [tilespmem:s22+$0x150];
	v3 =	vmul.f32 v3, v5;
	[tilespmem:s22+$0x130] =	vst v7  }
0xe5: {  	v2 =	vmul.f32 v2, v5;
	[tilespmem:s22+$0x120] =	vst v6  }
0xe6: {  	v54 =	vmul.f32 v8, v5;
	[tilespmem:s22+$0x140] =	vst v3  }
0xe7: {  	v1 =	vor.u32 v1, v4;
	v9 =	vmul.f32 v9, v5;
	[tilespmem:s22+$0x110] =	vst v2  }
0xe8: {  	v53 =	vmul.f32 v10, v5;
	[tilespmem:s22+$0x100] =	vst v54  }
0xe9: {  	v55 =	vmul.f32 v11, v5;
	[tilespmem:s22+$0x170] =	vst v9  }
0xea: {  	[tilespmem:s22+$0x160] =	vst v53  }
0xeb: {  	v56 =	vld [tilespmem:s22+$0x180];
	[tilespmem:s22+$0x150] =	vst v55  }
0xec: {  	v1 =	vld.idx.msk [tilespmem:v1+s23+$0x0], $0xffff  }
0xed: {  	v2 =	vld [tilespmem:s22+$0x1B0]  }
0xee: {  	v3 =	vld [tilespmem:s22+$0x1A0]  }
0xef: {  	v57 =	vld [tilespmem:s22+$0x1D0]  }
0xf0: {  	v60 =	vld [tilespmem:s22+$0x190]  }
0xf1: {  	v58 =	vld [tilespmem:s22+$0x1C0];
	v4 =	vmul.f32 v56, v1  }
0xf2: {  	v59 =	vld [tilespmem:s22+$0x1F0];
	v2 =	vmul.f32 v2, v1  }
0xf3: {  	v61 =	vld [tilespmem:s22+$0x1E0];
	v3 =	vmul.f32 v3, v1;
	[tilespmem:s22+$0x180] =	vst v4  }
0xf4: {  	v62 =	vmul.f32 v57, v1;
	[tilespmem:s22+$0x1B0] =	vst v2  }
0xf5: {  	v63 =	vmul.f32 v60, v1;
	[tilespmem:s22+$0x1A0] =	vst v3  }
0xf6: {  	s3 =	smul.u32 $0x5000, s31;
	s0 =	sadd.s32 $0x2, s29;
	v2 =	vmul.f32 v58, v1;
	[tilespmem:s22+$0x1D0] =	vst v62  }
0xf7: {  	s9 =	smulhi.u32 $0xAAAAAAAB, s0;
	v3 =	vmul.f32 v59, v1;
	[tilespmem:s22+$0x190] =	vst v63  }
0xf8: {  	s12 =	sshll.u32 s20, $0x7;
	s3 =	sshrl.u32 s3, $0x2;
	v1 =	vmul.f32 v61, v1;
	[tilespmem:s22+$0x1C0] =	vst v2  }
0xf9: {  	s3 =	sadd.s32 s12, s3;
	s9 =	sshrl.u32 s9, $0x1;
	[tilespmem:s22+$0x1F0] =	vst v3  }
0xfa: {  	s31 =	sadd.s32 $0x4, s30;
	s3 =	sadd.s32 $0x15400, s3;
	s9 =	smul.u32 $0x3, s9;
	[tilespmem:s22+$0x1E0] =	vst v1  }
0xfb: {  	[spmem:s2] =	stream.indirect.scatter.add.f32 [tilespmem:s18], [sflag:s31], $0x80, s3, s19, $0xb8;
	[tilespmem:$0x1F000] =	vst v63  }
0xfc: {  	p0 =	seq.s32 s29, $0x0;
	s3 =	ssub.s32 s0, s9  }
0xfd: {  	s9 =	sadd.s32 @!p0 $0x4, s3  }
0xfe: {  	p1 =	sgt.u32 @!p0 s29, $0x9D;
	_ =	swait.ge @!p0 [sflag:s9], $0x2000  }
0xff: {  	p1 =	por p0, !p1;
	[sflag:s9] =	ssyncset.done @!p0 $0x0  }
0x100: {  	[sflag:s9] =	ssyncadd.s32 @!p0 $0xFFFFE000;
	s9 =	smul.u32 @p1 $0xCD, s0;
	_ =	sdelay $0x1  }
0x101: {  	s12 =	sshrl.u32 @p1 s9, $0xD  }
0x102: {  	s12 =	sand.u32 @p1 $0x7, s12  }
0x103: {  	s12 =	smul.u32 @p1 $0x28, s12  }
0x104: {  	s28 =	sadd.s32 $0x40, s28  }
0x105: {  	s29 =	sadd.s32 $0x1, s29;
	s9 =	sshrl.u32 @p1 s9, $0x6;
	s0 =	ssub.s32 @p1 s0, s12  }
0x106: {  	p0 =	sne.s32 s29, $0xA0;
	s9 =	sand.u32 @p1 $0x80, s9;
	s12 =	sshll.u32 @p1 s0, $0x7  }
.Ltmp8:
0x107: {  	s0 =	sshll.u32 @p1 s0, $0x6;
	s12 =	sand.u32 @p1 $0x1F00, s12;
	(pc) =	sbr.rel @p0 .LBB2_8-.Ltmp8, $4  }
0x108: {  	s14 =	sshll.u32 @p1 s3, $0xD;
	s0 =	sand.u32 @p1 $0x40, s0;
	s9 =	sor.u32 @p1 s9, s12  }
0x109: {  	s26 =	sadd.s32 $0x2000, s26;
	s12 =	sand.u32 @p1 $0x3FFFE000, s14;
	s0 =	sor.u32 @p1 s0, s9  }
0x10a: {  	s3 =	sadd.s32 @p1 $0x1, s3;
	s9 =	sadd.s32 @p1 $0x19000, s12;
	s0 =	sor.u32 @p1 $0x14000, s0  }
0x10b: {  	[tilespmem:s9], [sflag:s3] =	stream.indirect.gather @p1 [hbm4b:s5+s19], $0x80, s0, s19, $0xb8;
	[tilespmem:$0x1F000] =	vst v63  }
0x10c: {  	s0 =	simm.s32 $0x4  }
0x10d: {  	_ =	swait.ge [sflag:s0], $0x2000  }
0x10e: {  	[sflag:s0] =	ssyncset.done $0x0  }
0x10f: {  	[sflag:s0] =	ssyncadd.s32 $0xFFFFE000  }
0x110: {  	[bflag:$0x0] =	sbarrier.arrive $0xFFFF  }
0x111: {  	s30 =	rddreg [dreg:$0x6]  }
0x112: {  	[hbm:s30], [sflag:s10] =	dma.local [spmem:s16], $0x2800  }
0x113: {  	_ =	swait.ge [sflag:s17], $0x2800  }
0x114: {  	s25 =	sadd.s32 $0x1, s25;
	s31 =	rddreg [dreg:$0x7]  }
0x115: {  	p0 =	sne.s32 s25, s31  }
.Ltmp9:
0x116: {  	_ = 	snop;
	(pc) =	sbr.rel @p0 .LBB2_1-.Ltmp9, $3  }
0x117: {  	_ =	sdelay $0x1  }
0x118: {  	[sflag:s17] =	ssyncset.done $0x0  }
0x119: {  	[sflag:s17] =	ssyncadd.s32 $0xFFFFD800  }
0x11a: {  	_ =	sfence.sel $0x180000  }
0x11b: {  	[bflag:$0x0] =	sbarrier.arrive $0xFFFF  }
0x11c: {  	_ =	strace $0x9000004A  }
0x11d: {  	s0 =	stileid.u32;
	[bflag:$0x2] =	sbarrier.arrive $0xFFFF  }
0x11e: {  	p0 =	sne.s32 s0, $0x0;
	s0 =	rddreg [dreg:$0x3]  }
0x11f: {  	s0 =	sadd.s32 @!p0 $0x100000, s0  }
0x120: {  	[sflag:s0] =	ssyncadd.tile.s32 @!p0 $0x1;
	_ =	shalt  }
.Lfunc_end2:
_tile_overlayer_lowered:
.L_overlay_start_2:
0x121: {  	(tag) =	ssettag $0x2  }
0x122: {  	s0 =	rddreg [dreg:$0x0];
	s2 =	stileid.u32  }
0x123: {  	s1 =	rddreg [dreg:$0x1];
	p0 =	sne.s32 s2, $0x0  }
0x124: {  	s3 =	rddreg [dreg:$0x2];
	[bflag:$0x3] =	sbarrier.arrive $0xFFFF;
	s2 =	simm.s32 @!p0 $0x1C07  }
0x125: {  	[timem:s3], [sflag:s2] =	dma.local @!p0 [hbm:s0], s1  }
0x126: {  	s0 =	simm.s32 @!p0 $0x7  }
0x127: {  	_ =	swait.ge @!p0 [sflag:s0], s1  }
0x128: {  	s1 =	ssub.s32 @!p0 $0x0, s1;
	[sflag:s0] =	ssyncset.done @!p0 $0x0  }
0x129: {  	[sflag:s0] =	ssyncadd.s32 @!p0 s1  }
0x12a: {  	[bflag:$0x3] =	sbarrier.arrive $0xFFFF  }
0x12b: {  	_ =	shalt  }

</sc_bundles>
